<compile_context>
chip_gen: v7x
topology: tpu7x:2x2x1
jax: 0.10.2.dev20260603
libtpu: 0.0.44.dev20260713+nightly
codegen_flags: <defaults>
</compile_context>

<pallas_src>
import functools

import jax
import jax.numpy as jnp
from jax import lax
from jax.experimental import pallas as pl
from jax.experimental.pallas import tpu as pltpu
from jax.experimental.pallas import tpu_sc as plsc

_N = 20000
_NPAD = 20480
_C = 128
_ROWS = _NPAD // _C
_NW = 32
_BPW = _NPAD // _NW
_IR = _BPW // _C
_D = 16

def _worker_id():
    return lax.axis_index("s") * 2 + lax.axis_index("c")


@functools.lru_cache(maxsize=1)
def _build_sc_kernels():
    mesh = plsc.VectorSubcoreMesh(
        core_axis_name="c", subcore_axis_name="s", num_cores=2, num_subcores=16
    )
    out16 = jax.ShapeDtypeStruct((_NPAD, _D), jnp.float32)
    scratch = [
        pltpu.VMEM((_IR, _C), jnp.int32),
        pltpu.VMEM((_BPW, _D), jnp.float32),
        pltpu.SemaphoreType.DMA,
    ]

    @functools.partial(
        pl.kernel, out_type=out16, mesh=mesh, scratch_types=scratch,
        compiler_params=pltpu.CompilerParams(use_tc_tiling_on_sc=False),
    )
    def gather(table_hbm, idx_hbm, out_hbm, idx_v, rows_v, sem):
        wid = _worker_id()
        pltpu.sync_copy(idx_hbm.at[wid], idx_v)
        cps = [
            pltpu.async_copy(
                table_hbm.at[idx_v.at[c]], rows_v.at[pl.ds(c * _C, _C)], sem
            )
            for c in range(_IR)
        ]
        for cp in cps:
            cp.wait()
        pltpu.sync_copy(rows_v, out_hbm.at[pl.ds(wid * _BPW, _BPW)])

    @functools.partial(
        pl.kernel, out_type=out16, mesh=mesh, scratch_types=scratch,
        compiler_params=pltpu.CompilerParams(use_tc_tiling_on_sc=False),
    )
    def scatter(rows_hbm, idx_hbm, out_hbm, idx_v, rows_v, sem):
        wid = _worker_id()
        pltpu.sync_copy(idx_hbm.at[wid], idx_v)
        pltpu.sync_copy(rows_hbm.at[pl.ds(wid * _BPW, _BPW)], rows_v)
        cps = [
            pltpu.async_copy(
                rows_v.at[pl.ds(c * _C, _C)], out_hbm.at[idx_v.at[c]], sem
            )
            for c in range(_IR)
        ]
        for cp in cps:
            cp.wait()

    return gather, scatter


def _sc_gather(table, idx):
    return _build_sc_kernels()[0](table, idx)


def _sc_scatter(rows16, idx):
    return _build_sc_kernels()[1](rows16, idx)


def _nms_body(cx_ref, cy_ref, w_ref, h_ref, cf_ref,
              keep_ref, ox1, oy1, ox2, oy2, ocf,
              x1_s, y1_s, x2_s, y2_s, area_s, gidx_s):
    cxs = cx_ref[:] * 640.0
    cys = cy_ref[:] * 640.0
    ws = w_ref[:] * 640.0
    hs = h_ref[:] * 640.0
    x1 = cxs - ws / 2.0
    y1 = cys - hs / 2.0
    x2 = cxs + ws / 2.0
    y2 = cys + hs / 2.0
    x1_s[:] = x1
    y1_s[:] = y1
    x2_s[:] = x2
    y2_s[:] = y2
    area_s[:] = (x2 - x1) * (y2 - y1)
    ri = lax.broadcasted_iota(jnp.int32, (_ROWS, _C), 0)
    ci = lax.broadcasted_iota(jnp.int32, (_ROWS, _C), 1)
    gidx_s[:] = ri * _C + ci
    keep_ref[:] = jnp.zeros((_ROWS, _C), jnp.float32)

    cf = cf_ref[:]
    thr_mask = cf >= 0.25
    m = jnp.sum(thr_mask.astype(jnp.int32))
    cmax = (m + 1023) // 1024

    lane = lax.broadcasted_iota(jnp.int32, (1, _C), 1)

    def body(i, carry):
        r = i // _C
        l = i % _C
        onehot = lane == l
        sup_row = keep_ref[pl.ds(r, 1), :]
        sup_i = jnp.max(jnp.where(onehot, sup_row, 0.0))

        @pl.when(sup_i == 0.0)
        def _():
            bx1 = jnp.max(jnp.where(onehot, x1_s[pl.ds(r, 1), :], -3.0e38))
            by1 = jnp.max(jnp.where(onehot, y1_s[pl.ds(r, 1), :], -3.0e38))
            bx2 = jnp.max(jnp.where(onehot, x2_s[pl.ds(r, 1), :], -3.0e38))
            by2 = jnp.max(jnp.where(onehot, y2_s[pl.ds(r, 1), :], -3.0e38))
            bar = jnp.max(jnp.where(onehot, area_s[pl.ds(r, 1), :], -3.0e38))

            def chunk(c, carry2):
                sl = pl.ds(c * 8, 8)
                xx1 = jnp.maximum(x1_s[sl, :], bx1)
                yy1 = jnp.maximum(y1_s[sl, :], by1)
                xx2 = jnp.minimum(x2_s[sl, :], bx2)
                yy2 = jnp.minimum(y2_s[sl, :], by2)
                inter = (jnp.maximum(xx2 - xx1, 0.0)
                         * jnp.maximum(yy2 - yy1, 0.0))
                union = bar + area_s[sl, :] - inter
                iou = inter / union
                supnew = (iou > 0.5) & (gidx_s[sl, :] > i)
                keep_ref[sl, :] = jnp.where(supnew, 1.0, keep_ref[sl, :])
                return carry2

            lax.fori_loop(r // 8, cmax, chunk, 0)

        return carry

    lax.fori_loop(0, m, body, 0)

    keepv = keep_ref[:] == 0.0
    keep_ref[:] = keepv.astype(jnp.float32)
    outm = keepv & thr_mask
    ox1[:] = jnp.where(outm, x1_s[:], 0.0)
    oy1[:] = jnp.where(outm, y1_s[:], 0.0)
    ox2[:] = jnp.where(outm, x2_s[:], 0.0)
    oy2[:] = jnp.where(outm, y2_s[:], 0.0)
    ocf[:] = jnp.where(outm, cf, 0.0)


_plane = jax.ShapeDtypeStruct((_ROWS, _C), jnp.float32)

_nms_call = pl.pallas_call(
    _nms_body,
    out_shape=[_plane] * 6,
    scratch_shapes=[pltpu.VMEM((_ROWS, _C), jnp.float32)] * 5
    + [pltpu.VMEM((_ROWS, _C), jnp.int32)],
)


def kernel(rtdetr_raw_out):
    x = jnp.squeeze(rtdetr_raw_out, axis=0)
    conf = x[:, 4]
    confn = conf / jnp.max(conf)
    order = jnp.argsort(-confn)

    table = jnp.concatenate(
        [x[:, :4], confn[:, None], jnp.zeros((_N, _D - 5), jnp.float32)], axis=1
    )
    table = jnp.concatenate([table, jnp.zeros((_NPAD - _N, _D), jnp.float32)])
    idx = jnp.concatenate(
        [order.astype(jnp.int32), jnp.arange(_N, _NPAD, dtype=jnp.int32)]
    ).reshape(_NW, _IR, _C)

    sorted16 = _sc_gather(table, idx)

    planes = [sorted16[:, c].reshape(_ROWS, _C) for c in range(5)]
    _keep, px1, py1, px2, py2, pcf = _nms_call(*planes)

    rows5 = jnp.stack(
        [p.reshape(-1) for p in (px1, py1, px2, py2, pcf)], axis=-1
    )
    rows16 = jnp.concatenate(
        [rows5, jnp.zeros((_NPAD, _D - 5), jnp.float32)], axis=1
    )
    out16 = _sc_scatter(rows16, idx)
    return out16[:_N, :5]

# --- scband reference (transcript-rebuilt; emitter-appended) ---
"""Pipeline reference for scband-rtdetr-postprocess-30554397344458 (READ-ONLY COPY).

The authoritative reference and input builder live on the scoring server;
editing this copy changes nothing except your own understanding.
"""

import jax, jax.numpy as jnp
import numpy as np

N_BOXES = 20000

def setup_inputs(seed: int = 0) -> dict:
    key = jax.random.key(seed)
    rtdetr_raw_out = jax.random.uniform(key, (1, N_BOXES, 5), dtype=jnp.float32)
    return {"rtdetr_raw_out": rtdetr_raw_out}


def _nms_keep(boxes, scores, iou_threshold):
    # Greedy NMS equivalent to torchvision.ops.nms: returns boolean keep mask.
    n = boxes.shape[0]
    order = jnp.argsort(-scores)
    b = boxes[order]
    x1, y1, x2, y2 = b[:, 0], b[:, 1], b[:, 2], b[:, 3]
    areas = (x2 - x1) * (y2 - y1)
    idx = jnp.arange(n)

    def body(i, suppressed):
        xx1 = jnp.maximum(x1[i], x1)
        yy1 = jnp.maximum(y1[i], y1)
        xx2 = jnp.minimum(x2[i], x2)
        yy2 = jnp.minimum(y2[i], y2)
        inter = jnp.maximum(xx2 - xx1, 0.0) * jnp.maximum(yy2 - yy1, 0.0)
        union = areas[i] + areas - inter
        iou = inter / union
        new_sup = (iou > iou_threshold) & (idx > i) & jnp.logical_not(suppressed[i])
        return suppressed | new_sup

    suppressed = jax.lax.fori_loop(0, n, body, jnp.zeros((n,), dtype=bool))
    keep_sorted = jnp.logical_not(suppressed)
    keep = jnp.zeros((n,), dtype=bool).at[order].set(keep_sorted)
    return keep


def reference(rtdetr_raw_out):
    # rtdetr_out_splitter
    x = jnp.squeeze(rtdetr_raw_out, axis=0)
    cxcywh = x[..., :4] * 640.0
    person_conf = x[..., 4]
    person_conf = person_conf / jnp.max(person_conf)
    # cxcywh2xyxy (torchvision.ops.box_convert 'cxcywh' -> 'xyxy')
    cx, cy, w, h = cxcywh[:, 0], cxcywh[:, 1], cxcywh[:, 2], cxcywh[:, 3]
    xyxy = jnp.stack([cx - w / 2.0, cy - h / 2.0, cx + w / 2.0, cy + h / 2.0], axis=-1)
    # NMS (iou_threshold=0.5) then confidence filter >= 0.25.
    keep = _nms_keep(xyxy, person_conf, 0.5)
    boxes_and_scores = jnp.concatenate([xyxy, person_conf[:, None]], axis=1)
    mask = keep & (boxes_and_scores[:, 4] >= 0.25)
    # JAX requires static shapes: zero-out rows not selected instead of compacting.
    out = jnp.where(mask[:, None], boxes_and_scores, 0.0)
    return out

if __name__ == "__main__":
    import jax
    _d = setup_inputs()
    print(jax.jit(kernel)(*tuple(_d.values())))

</pallas_src>

<mosaic_0001>
#map = affine_map<(d0, d1) -> (0, 0)>
#map1 = affine_map<(d0, d1) -> (0, 0, 0)>
module attributes {stable_mosaic.version = 14 : i64} {
  func.func @scatter(%arg0: i32, %arg1: i32, %arg2: memref<20480x16xf32, #tpu.memory_space<hbm>>, %arg3: memref<32x5x128xi32, #tpu.memory_space<hbm>>, %arg4: memref<20480x16xf32, #tpu.memory_space<hbm>>, %arg5: memref<5x128xi32, #tpu.memory_space<vmem>>, %arg6: memref<640x16xf32, #tpu.memory_space<vmem>>, %arg7: memref<!tpu.dma_semaphore, #tpu.memory_space<semaphore_mem>>) attributes {dimension_semantics = [#tpu.dimension_semantics<core_parallel>, #tpu.dimension_semantics<subcore_parallel>], iteration_bounds = array<i64: 2, 16>, scalar_prefetch = 0 : i64, scratch_operands = 3 : i64, tpu.core_type = #tpu.core_type<sc_vector_subcore>, window_params = [{transform_indices = #map}, {transform_indices = #map1}, {transform_indices = #map}]} {
    %mul3A = arith.constant 2 : i32
    %mul3A_0 = arith.muli %arg1, %mul3A : i32
    %add3A = arith.addi %mul3A_0, %arg0 : i32
    "tpu.region"() ({
      %run_scoped3A = tpu.sem_alloc : memref<!tpu.dma_semaphore, #tpu.memory_space<semaphore_mem>>
      %dma_start3A_101 = arith.constant 0 : i32
      %dma_start3A_102 = arith.constant 0 : i32
      %dma_start3A_103 = tpu.memref_slice %arg3[%add3A, %dma_start3A_101, %dma_start3A_102] : memref<32x5x128xi32, #tpu.memory_space<hbm>> -> memref<1x5x128xi32, #tpu.memory_space<hbm>>
      %dma_start3A_104 = tpu.memref_squeeze %dma_start3A_103 : memref<1x5x128xi32, #tpu.memory_space<hbm>> -> memref<5x128xi32, #tpu.memory_space<hbm>>
      %dma_start3A_105 = arith.constant 0 : i32
      %dma_start3A_106 = arith.constant 0 : i32
      %dma_start3A_107 = tpu.memref_slice %arg3[%add3A, %dma_start3A_105, %dma_start3A_106] : memref<32x5x128xi32, #tpu.memory_space<hbm>> -> memref<1x5x128xi32, #tpu.memory_space<hbm>>
      %dma_start3A_108 = tpu.memref_squeeze %dma_start3A_107 : memref<1x5x128xi32, #tpu.memory_space<hbm>> -> memref<5x128xi32, #tpu.memory_space<hbm>>
      tpu.enqueue_dma source(%dma_start3A_108 : memref<5x128xi32, #tpu.memory_space<hbm>>) target(%arg5 : memref<5x128xi32, #tpu.memory_space<vmem>>) target_semaphore(%run_scoped3A : memref<!tpu.dma_semaphore, #tpu.memory_space<semaphore_mem>>)
      %dma_wait3A_109 = arith.constant 0 : i32
      %dma_wait3A_110 = arith.constant 0 : i32
      %dma_wait3A_111 = tpu.memref_slice %arg3[%add3A, %dma_wait3A_109, %dma_wait3A_110] : memref<32x5x128xi32, #tpu.memory_space<hbm>> -> memref<1x5x128xi32, #tpu.memory_space<hbm>>
      %dma_wait3A_112 = tpu.memref_squeeze %dma_wait3A_111 : memref<1x5x128xi32, #tpu.memory_space<hbm>> -> memref<5x128xi32, #tpu.memory_space<hbm>>
      %dma_wait3A_113 = arith.constant 0 : i32
      %dma_wait3A_114 = arith.constant 0 : i32
      %dma_wait3A_115 = tpu.memref_slice %arg3[%add3A, %dma_wait3A_113, %dma_wait3A_114] : memref<32x5x128xi32, #tpu.memory_space<hbm>> -> memref<1x5x128xi32, #tpu.memory_space<hbm>>
      %dma_wait3A_116 = tpu.memref_squeeze %dma_wait3A_115 : memref<1x5x128xi32, #tpu.memory_space<hbm>> -> memref<5x128xi32, #tpu.memory_space<hbm>>
      tpu.wait_dma2 semaphore(%run_scoped3A : memref<!tpu.dma_semaphore, #tpu.memory_space<semaphore_mem>>) src(%dma_wait3A_116 : memref<5x128xi32, #tpu.memory_space<hbm>>) dst(%arg5 : memref<5x128xi32, #tpu.memory_space<vmem>>)
      tpu.yield
    }) : () -> ()
    %mul3A_1 = arith.constant 640 : i32
    %mul3A_2 = arith.muli %add3A, %mul3A_1 : i32
    "tpu.region"() ({
      %run_scoped3A = tpu.sem_alloc : memref<!tpu.dma_semaphore, #tpu.memory_space<semaphore_mem>>
      %dma_start3A_101 = arith.constant 0 : i32
      %dma_start3A_102 = tpu.memref_slice %arg2[%mul3A_2, %dma_start3A_101] : memref<20480x16xf32, #tpu.memory_space<hbm>> -> memref<640x16xf32, #tpu.memory_space<hbm>>
      %dma_start3A_103 = arith.constant 0 : i32
      %dma_start3A_104 = tpu.memref_slice %arg2[%mul3A_2, %dma_start3A_103] : memref<20480x16xf32, #tpu.memory_space<hbm>> -> memref<640x16xf32, #tpu.memory_space<hbm>>
      tpu.enqueue_dma source(%dma_start3A_104 : memref<640x16xf32, #tpu.memory_space<hbm>>) target(%arg6 : memref<640x16xf32, #tpu.memory_space<vmem>>) target_semaphore(%run_scoped3A : memref<!tpu.dma_semaphore, #tpu.memory_space<semaphore_mem>>)
      %dma_wait3A_105 = arith.constant 0 : i32
      %dma_wait3A_106 = tpu.memref_slice %arg2[%mul3A_2, %dma_wait3A_105] : memref<20480x16xf32, #tpu.memory_space<hbm>> -> memref<640x16xf32, #tpu.memory_space<hbm>>
      %dma_wait3A_107 = arith.constant 0 : i32
      %dma_wait3A_108 = tpu.memref_slice %arg2[%mul3A_2, %dma_wait3A_107] : memref<20480x16xf32, #tpu.memory_space<hbm>> -> memref<640x16xf32, #tpu.memory_space<hbm>>
      tpu.wait_dma2 semaphore(%run_scoped3A : memref<!tpu.dma_semaphore, #tpu.memory_space<semaphore_mem>>) src(%dma_wait3A_108 : memref<640x16xf32, #tpu.memory_space<hbm>>) dst(%arg6 : memref<640x16xf32, #tpu.memory_space<vmem>>)
      tpu.yield
    }) : () -> ()
    %dma_start3A = arith.constant 0 : i32
    %dma_start3A_3 = arith.constant 0 : i32
    %dma_start3A_4 = arith.constant 0 : i32
    %dma_start3A_5 = tpu.memref_slice %arg6[%dma_start3A_3, %dma_start3A_4] : memref<640x16xf32, #tpu.memory_space<vmem>> -> memref<128x16xf32, #tpu.memory_space<vmem>>
    %dma_start3A_6 = arith.constant 0 : i32
    %dma_start3A_7 = tpu.memref_slice %arg5[%dma_start3A, %dma_start3A_6] : memref<5x128xi32, #tpu.memory_space<vmem>> -> memref<1x128xi32, #tpu.memory_space<vmem>>
    %dma_start3A_8 = tpu.memref_squeeze %dma_start3A_7 : memref<1x128xi32, #tpu.memory_space<vmem>> -> memref<128xi32, #tpu.memory_space<vmem>>
    %dma_start3A_9 = arith.constant 0 : i32
    %dma_start3A_10 = arith.constant 0 : i32
    %dma_start3A_11 = tpu.memref_slice %arg4[%dma_start3A_9, %dma_start3A_10] : memref<20480x16xf32, #tpu.memory_space<hbm>> -> memref<20480x16xf32, #tpu.memory_space<hbm>>
    tpu.enqueue_indirect_dma source(%dma_start3A_5 : memref<128x16xf32, #tpu.memory_space<vmem>>) target(%dma_start3A_11 : memref<20480x16xf32, #tpu.memory_space<hbm>>) offsets(%dma_start3A_8 : memref<128xi32, #tpu.memory_space<vmem>>) semaphore(%arg7 : memref<!tpu.dma_semaphore, #tpu.memory_space<semaphore_mem>>)
    %dma_start3A_12 = arith.constant 1 : i32
    %dma_start3A_13 = arith.constant 128 : i32
    %dma_start3A_14 = arith.constant 0 : i32
    %dma_start3A_15 = tpu.memref_slice %arg6[%dma_start3A_13, %dma_start3A_14] : memref<640x16xf32, #tpu.memory_space<vmem>> -> memref<128x16xf32, #tpu.memory_space<vmem>>
    %dma_start3A_16 = arith.constant 0 : i32
    %dma_start3A_17 = tpu.memref_slice %arg5[%dma_start3A_12, %dma_start3A_16] : memref<5x128xi32, #tpu.memory_space<vmem>> -> memref<1x128xi32, #tpu.memory_space<vmem>>
    %dma_start3A_18 = tpu.memref_squeeze %dma_start3A_17 : memref<1x128xi32, #tpu.memory_space<vmem>> -> memref<128xi32, #tpu.memory_space<vmem>>
    %dma_start3A_19 = arith.constant 0 : i32
    %dma_start3A_20 = arith.constant 0 : i32
    %dma_start3A_21 = tpu.memref_slice %arg4[%dma_start3A_19, %dma_start3A_20] : memref<20480x16xf32, #tpu.memory_space<hbm>> -> memref<20480x16xf32, #tpu.memory_space<hbm>>
    tpu.enqueue_indirect_dma source(%dma_start3A_15 : memref<128x16xf32, #tpu.memory_space<vmem>>) target(%dma_start3A_21 : memref<20480x16xf32, #tpu.memory_space<hbm>>) offsets(%dma_start3A_18 : memref<128xi32, #tpu.memory_space<vmem>>) semaphore(%arg7 : memref<!tpu.dma_semaphore, #tpu.memory_space<semaphore_mem>>)
    %dma_start3A_22 = arith.constant 2 : i32
    %dma_start3A_23 = arith.constant 256 : i32
    %dma_start3A_24 = arith.constant 0 : i32
    %dma_start3A_25 = tpu.memref_slice %arg6[%dma_start3A_23, %dma_start3A_24] : memref<640x16xf32, #tpu.memory_space<vmem>> -> memref<128x16xf32, #tpu.memory_space<vmem>>
    %dma_start3A_26 = arith.constant 0 : i32
    %dma_start3A_27 = tpu.memref_slice %arg5[%dma_start3A_22, %dma_start3A_26] : memref<5x128xi32, #tpu.memory_space<vmem>> -> memref<1x128xi32, #tpu.memory_space<vmem>>
    %dma_start3A_28 = tpu.memref_squeeze %dma_start3A_27 : memref<1x128xi32, #tpu.memory_space<vmem>> -> memref<128xi32, #tpu.memory_space<vmem>>
    %dma_start3A_29 = arith.constant 0 : i32
    %dma_start3A_30 = arith.constant 0 : i32
    %dma_start3A_31 = tpu.memref_slice %arg4[%dma_start3A_29, %dma_start3A_30] : memref<20480x16xf32, #tpu.memory_space<hbm>> -> memref<20480x16xf32, #tpu.memory_space<hbm>>
    tpu.enqueue_indirect_dma source(%dma_start3A_25 : memref<128x16xf32, #tpu.memory_space<vmem>>) target(%dma_start3A_31 : memref<20480x16xf32, #tpu.memory_space<hbm>>) offsets(%dma_start3A_28 : memref<128xi32, #tpu.memory_space<vmem>>) semaphore(%arg7 : memref<!tpu.dma_semaphore, #tpu.memory_space<semaphore_mem>>)
    %dma_start3A_32 = arith.constant 3 : i32
    %dma_start3A_33 = arith.constant 384 : i32
    %dma_start3A_34 = arith.constant 0 : i32
    %dma_start3A_35 = tpu.memref_slice %arg6[%dma_start3A_33, %dma_start3A_34] : memref<640x16xf32, #tpu.memory_space<vmem>> -> memref<128x16xf32, #tpu.memory_space<vmem>>
    %dma_start3A_36 = arith.constant 0 : i32
    %dma_start3A_37 = tpu.memref_slice %arg5[%dma_start3A_32, %dma_start3A_36] : memref<5x128xi32, #tpu.memory_space<vmem>> -> memref<1x128xi32, #tpu.memory_space<vmem>>
    %dma_start3A_38 = tpu.memref_squeeze %dma_start3A_37 : memref<1x128xi32, #tpu.memory_space<vmem>> -> memref<128xi32, #tpu.memory_space<vmem>>
    %dma_start3A_39 = arith.constant 0 : i32
    %dma_start3A_40 = arith.constant 0 : i32
    %dma_start3A_41 = tpu.memref_slice %arg4[%dma_start3A_39, %dma_start3A_40] : memref<20480x16xf32, #tpu.memory_space<hbm>> -> memref<20480x16xf32, #tpu.memory_space<hbm>>
    tpu.enqueue_indirect_dma source(%dma_start3A_35 : memref<128x16xf32, #tpu.memory_space<vmem>>) target(%dma_start3A_41 : memref<20480x16xf32, #tpu.memory_space<hbm>>) offsets(%dma_start3A_38 : memref<128xi32, #tpu.memory_space<vmem>>) semaphore(%arg7 : memref<!tpu.dma_semaphore, #tpu.memory_space<semaphore_mem>>)
    %dma_start3A_42 = arith.constant 4 : i32
    %dma_start3A_43 = arith.constant 512 : i32
    %dma_start3A_44 = arith.constant 0 : i32
    %dma_start3A_45 = tpu.memref_slice %arg6[%dma_start3A_43, %dma_start3A_44] : memref<640x16xf32, #tpu.memory_space<vmem>> -> memref<128x16xf32, #tpu.memory_space<vmem>>
    %dma_start3A_46 = arith.constant 0 : i32
    %dma_start3A_47 = tpu.memref_slice %arg5[%dma_start3A_42, %dma_start3A_46] : memref<5x128xi32, #tpu.memory_space<vmem>> -> memref<1x128xi32, #tpu.memory_space<vmem>>
    %dma_start3A_48 = tpu.memref_squeeze %dma_start3A_47 : memref<1x128xi32, #tpu.memory_space<vmem>> -> memref<128xi32, #tpu.memory_space<vmem>>
    %dma_start3A_49 = arith.constant 0 : i32
    %dma_start3A_50 = arith.constant 0 : i32
    %dma_start3A_51 = tpu.memref_slice %arg4[%dma_start3A_49, %dma_start3A_50] : memref<20480x16xf32, #tpu.memory_space<hbm>> -> memref<20480x16xf32, #tpu.memory_space<hbm>>
    tpu.enqueue_indirect_dma source(%dma_start3A_45 : memref<128x16xf32, #tpu.memory_space<vmem>>) target(%dma_start3A_51 : memref<20480x16xf32, #tpu.memory_space<hbm>>) offsets(%dma_start3A_48 : memref<128xi32, #tpu.memory_space<vmem>>) semaphore(%arg7 : memref<!tpu.dma_semaphore, #tpu.memory_space<semaphore_mem>>)
    %dma_wait3A = arith.constant 0 : i32
    %dma_wait3A_52 = arith.constant 0 : i32
    %dma_wait3A_53 = arith.constant 0 : i32
    %dma_wait3A_54 = tpu.memref_slice %arg6[%dma_wait3A_52, %dma_wait3A_53] : memref<640x16xf32, #tpu.memory_space<vmem>> -> memref<128x16xf32, #tpu.memory_space<vmem>>
    %dma_wait3A_55 = arith.constant 0 : i32
    %dma_wait3A_56 = tpu.memref_slice %arg5[%dma_wait3A, %dma_wait3A_55] : memref<5x128xi32, #tpu.memory_space<vmem>> -> memref<1x128xi32, #tpu.memory_space<vmem>>
    %dma_wait3A_57 = tpu.memref_squeeze %dma_wait3A_56 : memref<1x128xi32, #tpu.memory_space<vmem>> -> memref<128xi32, #tpu.memory_space<vmem>>
    %dma_wait3A_58 = arith.constant 0 : i32
    %dma_wait3A_59 = arith.constant 0 : i32
    %dma_wait3A_60 = tpu.memref_slice %arg4[%dma_wait3A_58, %dma_wait3A_59] : memref<20480x16xf32, #tpu.memory_space<hbm>> -> memref<20480x16xf32, #tpu.memory_space<hbm>>
    tpu.wait_indirect_dma semaphore(%arg7 : memref<!tpu.dma_semaphore, #tpu.memory_space<semaphore_mem>>) src(%dma_wait3A_54 : memref<128x16xf32, #tpu.memory_space<vmem>>) dst(%dma_wait3A_60 : memref<20480x16xf32, #tpu.memory_space<hbm>>)
    %dma_wait3A_61 = arith.constant 1 : i32
    %dma_wait3A_62 = arith.constant 128 : i32
    %dma_wait3A_63 = arith.constant 0 : i32
    %dma_wait3A_64 = tpu.memref_slice %arg6[%dma_wait3A_62, %dma_wait3A_63] : memref<640x16xf32, #tpu.memory_space<vmem>> -> memref<128x16xf32, #tpu.memory_space<vmem>>
    %dma_wait3A_65 = arith.constant 0 : i32
    %dma_wait3A_66 = tpu.memref_slice %arg5[%dma_wait3A_61, %dma_wait3A_65] : memref<5x128xi32, #tpu.memory_space<vmem>> -> memref<1x128xi32, #tpu.memory_space<vmem>>
    %dma_wait3A_67 = tpu.memref_squeeze %dma_wait3A_66 : memref<1x128xi32, #tpu.memory_space<vmem>> -> memref<128xi32, #tpu.memory_space<vmem>>
    %dma_wait3A_68 = arith.constant 0 : i32
    %dma_wait3A_69 = arith.constant 0 : i32
    %dma_wait3A_70 = tpu.memref_slice %arg4[%dma_wait3A_68, %dma_wait3A_69] : memref<20480x16xf32, #tpu.memory_space<hbm>> -> memref<20480x16xf32, #tpu.memory_space<hbm>>
    tpu.wait_indirect_dma semaphore(%arg7 : memref<!tpu.dma_semaphore, #tpu.memory_space<semaphore_mem>>) src(%dma_wait3A_64 : memref<128x16xf32, #tpu.memory_space<vmem>>) dst(%dma_wait3A_70 : memref<20480x16xf32, #tpu.memory_space<hbm>>)
    %dma_wait3A_71 = arith.constant 2 : i32
    %dma_wait3A_72 = arith.constant 256 : i32
    %dma_wait3A_73 = arith.constant 0 : i32
    %dma_wait3A_74 = tpu.memref_slice %arg6[%dma_wait3A_72, %dma_wait3A_73] : memref<640x16xf32, #tpu.memory_space<vmem>> -> memref<128x16xf32, #tpu.memory_space<vmem>>
    %dma_wait3A_75 = arith.constant 0 : i32
    %dma_wait3A_76 = tpu.memref_slice %arg5[%dma_wait3A_71, %dma_wait3A_75] : memref<5x128xi32, #tpu.memory_space<vmem>> -> memref<1x128xi32, #tpu.memory_space<vmem>>
    %dma_wait3A_77 = tpu.memref_squeeze %dma_wait3A_76 : memref<1x128xi32, #tpu.memory_space<vmem>> -> memref<128xi32, #tpu.memory_space<vmem>>
    %dma_wait3A_78 = arith.constant 0 : i32
    %dma_wait3A_79 = arith.constant 0 : i32
    %dma_wait3A_80 = tpu.memref_slice %arg4[%dma_wait3A_78, %dma_wait3A_79] : memref<20480x16xf32, #tpu.memory_space<hbm>> -> memref<20480x16xf32, #tpu.memory_space<hbm>>
    tpu.wait_indirect_dma semaphore(%arg7 : memref<!tpu.dma_semaphore, #tpu.memory_space<semaphore_mem>>) src(%dma_wait3A_74 : memref<128x16xf32, #tpu.memory_space<vmem>>) dst(%dma_wait3A_80 : memref<20480x16xf32, #tpu.memory_space<hbm>>)
    %dma_wait3A_81 = arith.constant 3 : i32
    %dma_wait3A_82 = arith.constant 384 : i32
    %dma_wait3A_83 = arith.constant 0 : i32
    %dma_wait3A_84 = tpu.memref_slice %arg6[%dma_wait3A_82, %dma_wait3A_83] : memref<640x16xf32, #tpu.memory_space<vmem>> -> memref<128x16xf32, #tpu.memory_space<vmem>>
    %dma_wait3A_85 = arith.constant 0 : i32
    %dma_wait3A_86 = tpu.memref_slice %arg5[%dma_wait3A_81, %dma_wait3A_85] : memref<5x128xi32, #tpu.memory_space<vmem>> -> memref<1x128xi32, #tpu.memory_space<vmem>>
    %dma_wait3A_87 = tpu.memref_squeeze %dma_wait3A_86 : memref<1x128xi32, #tpu.memory_space<vmem>> -> memref<128xi32, #tpu.memory_space<vmem>>
    %dma_wait3A_88 = arith.constant 0 : i32
    %dma_wait3A_89 = arith.constant 0 : i32
    %dma_wait3A_90 = tpu.memref_slice %arg4[%dma_wait3A_88, %dma_wait3A_89] : memref<20480x16xf32, #tpu.memory_space<hbm>> -> memref<20480x16xf32, #tpu.memory_space<hbm>>
    tpu.wait_indirect_dma semaphore(%arg7 : memref<!tpu.dma_semaphore, #tpu.memory_space<semaphore_mem>>) src(%dma_wait3A_84 : memref<128x16xf32, #tpu.memory_space<vmem>>) dst(%dma_wait3A_90 : memref<20480x16xf32, #tpu.memory_space<hbm>>)
    %dma_wait3A_91 = arith.constant 4 : i32
    %dma_wait3A_92 = arith.constant 512 : i32
    %dma_wait3A_93 = arith.constant 0 : i32
    %dma_wait3A_94 = tpu.memref_slice %arg6[%dma_wait3A_92, %dma_wait3A_93] : memref<640x16xf32, #tpu.memory_space<vmem>> -> memref<128x16xf32, #tpu.memory_space<vmem>>
    %dma_wait3A_95 = arith.constant 0 : i32
    %dma_wait3A_96 = tpu.memref_slice %arg5[%dma_wait3A_91, %dma_wait3A_95] : memref<5x128xi32, #tpu.memory_space<vmem>> -> memref<1x128xi32, #tpu.memory_space<vmem>>
    %dma_wait3A_97 = tpu.memref_squeeze %dma_wait3A_96 : memref<1x128xi32, #tpu.memory_space<vmem>> -> memref<128xi32, #tpu.memory_space<vmem>>
    %dma_wait3A_98 = arith.constant 0 : i32
    %dma_wait3A_99 = arith.constant 0 : i32
    %dma_wait3A_100 = tpu.memref_slice %arg4[%dma_wait3A_98, %dma_wait3A_99] : memref<20480x16xf32, #tpu.memory_space<hbm>> -> memref<20480x16xf32, #tpu.memory_space<hbm>>
    tpu.wait_indirect_dma semaphore(%arg7 : memref<!tpu.dma_semaphore, #tpu.memory_space<semaphore_mem>>) src(%dma_wait3A_94 : memref<128x16xf32, #tpu.memory_space<vmem>>) dst(%dma_wait3A_100 : memref<20480x16xf32, #tpu.memory_space<hbm>>)
    return
  }
}

#map = affine_map<(d0, d1) -> (0, 0)>
#map1 = affine_map<(d0, d1) -> (0, 0, 0)>
module attributes {stable_mosaic.version = 14 : i64} {
  func.func @gather(%arg0: i32, %arg1: i32, %arg2: memref<20480x16xf32, #tpu.memory_space<hbm>>, %arg3: memref<32x5x128xi32, #tpu.memory_space<hbm>>, %arg4: memref<20480x16xf32, #tpu.memory_space<hbm>>, %arg5: memref<5x128xi32, #tpu.memory_space<vmem>>, %arg6: memref<640x16xf32, #tpu.memory_space<vmem>>, %arg7: memref<!tpu.dma_semaphore, #tpu.memory_space<semaphore_mem>>) attributes {dimension_semantics = [#tpu.dimension_semantics<core_parallel>, #tpu.dimension_semantics<subcore_parallel>], iteration_bounds = array<i64: 2, 16>, scalar_prefetch = 0 : i64, scratch_operands = 3 : i64, tpu.core_type = #tpu.core_type<sc_vector_subcore>, window_params = [{transform_indices = #map}, {transform_indices = #map1}, {transform_indices = #map}]} {
    %mul3A = arith.constant 2 : i32
    %mul3A_0 = arith.muli %arg1, %mul3A : i32
    %add3A = arith.addi %mul3A_0, %arg0 : i32
    "tpu.region"() ({
      %run_scoped3A = tpu.sem_alloc : memref<!tpu.dma_semaphore, #tpu.memory_space<semaphore_mem>>
      %dma_start3A_101 = arith.constant 0 : i32
      %dma_start3A_102 = arith.constant 0 : i32
      %dma_start3A_103 = tpu.memref_slice %arg3[%add3A, %dma_start3A_101, %dma_start3A_102] : memref<32x5x128xi32, #tpu.memory_space<hbm>> -> memref<1x5x128xi32, #tpu.memory_space<hbm>>
      %dma_start3A_104 = tpu.memref_squeeze %dma_start3A_103 : memref<1x5x128xi32, #tpu.memory_space<hbm>> -> memref<5x128xi32, #tpu.memory_space<hbm>>
      %dma_start3A_105 = arith.constant 0 : i32
      %dma_start3A_106 = arith.constant 0 : i32
      %dma_start3A_107 = tpu.memref_slice %arg3[%add3A, %dma_start3A_105, %dma_start3A_106] : memref<32x5x128xi32, #tpu.memory_space<hbm>> -> memref<1x5x128xi32, #tpu.memory_space<hbm>>
      %dma_start3A_108 = tpu.memref_squeeze %dma_start3A_107 : memref<1x5x128xi32, #tpu.memory_space<hbm>> -> memref<5x128xi32, #tpu.memory_space<hbm>>
      tpu.enqueue_dma source(%dma_start3A_108 : memref<5x128xi32, #tpu.memory_space<hbm>>) target(%arg5 : memref<5x128xi32, #tpu.memory_space<vmem>>) target_semaphore(%run_scoped3A : memref<!tpu.dma_semaphore, #tpu.memory_space<semaphore_mem>>)
      %dma_wait3A_109 = arith.constant 0 : i32
      %dma_wait3A_110 = arith.constant 0 : i32
      %dma_wait3A_111 = tpu.memref_slice %arg3[%add3A, %dma_wait3A_109, %dma_wait3A_110] : memref<32x5x128xi32, #tpu.memory_space<hbm>> -> memref<1x5x128xi32, #tpu.memory_space<hbm>>
      %dma_wait3A_112 = tpu.memref_squeeze %dma_wait3A_111 : memref<1x5x128xi32, #tpu.memory_space<hbm>> -> memref<5x128xi32, #tpu.memory_space<hbm>>
      %dma_wait3A_113 = arith.constant 0 : i32
      %dma_wait3A_114 = arith.constant 0 : i32
      %dma_wait3A_115 = tpu.memref_slice %arg3[%add3A, %dma_wait3A_113, %dma_wait3A_114] : memref<32x5x128xi32, #tpu.memory_space<hbm>> -> memref<1x5x128xi32, #tpu.memory_space<hbm>>
      %dma_wait3A_116 = tpu.memref_squeeze %dma_wait3A_115 : memref<1x5x128xi32, #tpu.memory_space<hbm>> -> memref<5x128xi32, #tpu.memory_space<hbm>>
      tpu.wait_dma2 semaphore(%run_scoped3A : memref<!tpu.dma_semaphore, #tpu.memory_space<semaphore_mem>>) src(%dma_wait3A_116 : memref<5x128xi32, #tpu.memory_space<hbm>>) dst(%arg5 : memref<5x128xi32, #tpu.memory_space<vmem>>)
      tpu.yield
    }) : () -> ()
    %dma_start3A = arith.constant 0 : i32
    %dma_start3A_1 = arith.constant 0 : i32
    %dma_start3A_2 = arith.constant 0 : i32
    %dma_start3A_3 = tpu.memref_slice %arg6[%dma_start3A_1, %dma_start3A_2] : memref<640x16xf32, #tpu.memory_space<vmem>> -> memref<128x16xf32, #tpu.memory_space<vmem>>
    %dma_start3A_4 = arith.constant 0 : i32
    %dma_start3A_5 = tpu.memref_slice %arg5[%dma_start3A, %dma_start3A_4] : memref<5x128xi32, #tpu.memory_space<vmem>> -> memref<1x128xi32, #tpu.memory_space<vmem>>
    %dma_start3A_6 = tpu.memref_squeeze %dma_start3A_5 : memref<1x128xi32, #tpu.memory_space<vmem>> -> memref<128xi32, #tpu.memory_space<vmem>>
    %dma_start3A_7 = arith.constant 0 : i32
    %dma_start3A_8 = arith.constant 0 : i32
    %dma_start3A_9 = tpu.memref_slice %arg2[%dma_start3A_7, %dma_start3A_8] : memref<20480x16xf32, #tpu.memory_space<hbm>> -> memref<20480x16xf32, #tpu.memory_space<hbm>>
    tpu.enqueue_indirect_dma source(%dma_start3A_9 : memref<20480x16xf32, #tpu.memory_space<hbm>>) target(%dma_start3A_3 : memref<128x16xf32, #tpu.memory_space<vmem>>) offsets(%dma_start3A_6 : memref<128xi32, #tpu.memory_space<vmem>>) semaphore(%arg7 : memref<!tpu.dma_semaphore, #tpu.memory_space<semaphore_mem>>)
    %dma_start3A_10 = arith.constant 1 : i32
    %dma_start3A_11 = arith.constant 128 : i32
    %dma_start3A_12 = arith.constant 0 : i32
    %dma_start3A_13 = tpu.memref_slice %arg6[%dma_start3A_11, %dma_start3A_12] : memref<640x16xf32, #tpu.memory_space<vmem>> -> memref<128x16xf32, #tpu.memory_space<vmem>>
    %dma_start3A_14 = arith.constant 0 : i32
    %dma_start3A_15 = tpu.memref_slice %arg5[%dma_start3A_10, %dma_start3A_14] : memref<5x128xi32, #tpu.memory_space<vmem>> -> memref<1x128xi32, #tpu.memory_space<vmem>>
    %dma_start3A_16 = tpu.memref_squeeze %dma_start3A_15 : memref<1x128xi32, #tpu.memory_space<vmem>> -> memref<128xi32, #tpu.memory_space<vmem>>
    %dma_start3A_17 = arith.constant 0 : i32
    %dma_start3A_18 = arith.constant 0 : i32
    %dma_start3A_19 = tpu.memref_slice %arg2[%dma_start3A_17, %dma_start3A_18] : memref<20480x16xf32, #tpu.memory_space<hbm>> -> memref<20480x16xf32, #tpu.memory_space<hbm>>
    tpu.enqueue_indirect_dma source(%dma_start3A_19 : memref<20480x16xf32, #tpu.memory_space<hbm>>) target(%dma_start3A_13 : memref<128x16xf32, #tpu.memory_space<vmem>>) offsets(%dma_start3A_16 : memref<128xi32, #tpu.memory_space<vmem>>) semaphore(%arg7 : memref<!tpu.dma_semaphore, #tpu.memory_space<semaphore_mem>>)
    %dma_start3A_20 = arith.constant 2 : i32
    %dma_start3A_21 = arith.constant 256 : i32
    %dma_start3A_22 = arith.constant 0 : i32
    %dma_start3A_23 = tpu.memref_slice %arg6[%dma_start3A_21, %dma_start3A_22] : memref<640x16xf32, #tpu.memory_space<vmem>> -> memref<128x16xf32, #tpu.memory_space<vmem>>
    %dma_start3A_24 = arith.constant 0 : i32
    %dma_start3A_25 = tpu.memref_slice %arg5[%dma_start3A_20, %dma_start3A_24] : memref<5x128xi32, #tpu.memory_space<vmem>> -> memref<1x128xi32, #tpu.memory_space<vmem>>
    %dma_start3A_26 = tpu.memref_squeeze %dma_start3A_25 : memref<1x128xi32, #tpu.memory_space<vmem>> -> memref<128xi32, #tpu.memory_space<vmem>>
    %dma_start3A_27 = arith.constant 0 : i32
    %dma_start3A_28 = arith.constant 0 : i32
    %dma_start3A_29 = tpu.memref_slice %arg2[%dma_start3A_27, %dma_start3A_28] : memref<20480x16xf32, #tpu.memory_space<hbm>> -> memref<20480x16xf32, #tpu.memory_space<hbm>>
    tpu.enqueue_indirect_dma source(%dma_start3A_29 : memref<20480x16xf32, #tpu.memory_space<hbm>>) target(%dma_start3A_23 : memref<128x16xf32, #tpu.memory_space<vmem>>) offsets(%dma_start3A_26 : memref<128xi32, #tpu.memory_space<vmem>>) semaphore(%arg7 : memref<!tpu.dma_semaphore, #tpu.memory_space<semaphore_mem>>)
    %dma_start3A_30 = arith.constant 3 : i32
    %dma_start3A_31 = arith.constant 384 : i32
    %dma_start3A_32 = arith.constant 0 : i32
    %dma_start3A_33 = tpu.memref_slice %arg6[%dma_start3A_31, %dma_start3A_32] : memref<640x16xf32, #tpu.memory_space<vmem>> -> memref<128x16xf32, #tpu.memory_space<vmem>>
    %dma_start3A_34 = arith.constant 0 : i32
    %dma_start3A_35 = tpu.memref_slice %arg5[%dma_start3A_30, %dma_start3A_34] : memref<5x128xi32, #tpu.memory_space<vmem>> -> memref<1x128xi32, #tpu.memory_space<vmem>>
    %dma_start3A_36 = tpu.memref_squeeze %dma_start3A_35 : memref<1x128xi32, #tpu.memory_space<vmem>> -> memref<128xi32, #tpu.memory_space<vmem>>
    %dma_start3A_37 = arith.constant 0 : i32
    %dma_start3A_38 = arith.constant 0 : i32
    %dma_start3A_39 = tpu.memref_slice %arg2[%dma_start3A_37, %dma_start3A_38] : memref<20480x16xf32, #tpu.memory_space<hbm>> -> memref<20480x16xf32, #tpu.memory_space<hbm>>
    tpu.enqueue_indirect_dma source(%dma_start3A_39 : memref<20480x16xf32, #tpu.memory_space<hbm>>) target(%dma_start3A_33 : memref<128x16xf32, #tpu.memory_space<vmem>>) offsets(%dma_start3A_36 : memref<128xi32, #tpu.memory_space<vmem>>) semaphore(%arg7 : memref<!tpu.dma_semaphore, #tpu.memory_space<semaphore_mem>>)
    %dma_start3A_40 = arith.constant 4 : i32
    %dma_start3A_41 = arith.constant 512 : i32
    %dma_start3A_42 = arith.constant 0 : i32
    %dma_start3A_43 = tpu.memref_slice %arg6[%dma_start3A_41, %dma_start3A_42] : memref<640x16xf32, #tpu.memory_space<vmem>> -> memref<128x16xf32, #tpu.memory_space<vmem>>
    %dma_start3A_44 = arith.constant 0 : i32
    %dma_start3A_45 = tpu.memref_slice %arg5[%dma_start3A_40, %dma_start3A_44] : memref<5x128xi32, #tpu.memory_space<vmem>> -> memref<1x128xi32, #tpu.memory_space<vmem>>
    %dma_start3A_46 = tpu.memref_squeeze %dma_start3A_45 : memref<1x128xi32, #tpu.memory_space<vmem>> -> memref<128xi32, #tpu.memory_space<vmem>>
    %dma_start3A_47 = arith.constant 0 : i32
    %dma_start3A_48 = arith.constant 0 : i32
    %dma_start3A_49 = tpu.memref_slice %arg2[%dma_start3A_47, %dma_start3A_48] : memref<20480x16xf32, #tpu.memory_space<hbm>> -> memref<20480x16xf32, #tpu.memory_space<hbm>>
    tpu.enqueue_indirect_dma source(%dma_start3A_49 : memref<20480x16xf32, #tpu.memory_space<hbm>>) target(%dma_start3A_43 : memref<128x16xf32, #tpu.memory_space<vmem>>) offsets(%dma_start3A_46 : memref<128xi32, #tpu.memory_space<vmem>>) semaphore(%arg7 : memref<!tpu.dma_semaphore, #tpu.memory_space<semaphore_mem>>)
    %dma_wait3A = arith.constant 0 : i32
    %dma_wait3A_50 = arith.constant 0 : i32
    %dma_wait3A_51 = arith.constant 0 : i32
    %dma_wait3A_52 = tpu.memref_slice %arg6[%dma_wait3A_50, %dma_wait3A_51] : memref<640x16xf32, #tpu.memory_space<vmem>> -> memref<128x16xf32, #tpu.memory_space<vmem>>
    %dma_wait3A_53 = arith.constant 0 : i32
    %dma_wait3A_54 = tpu.memref_slice %arg5[%dma_wait3A, %dma_wait3A_53] : memref<5x128xi32, #tpu.memory_space<vmem>> -> memref<1x128xi32, #tpu.memory_space<vmem>>
    %dma_wait3A_55 = tpu.memref_squeeze %dma_wait3A_54 : memref<1x128xi32, #tpu.memory_space<vmem>> -> memref<128xi32, #tpu.memory_space<vmem>>
    %dma_wait3A_56 = arith.constant 0 : i32
    %dma_wait3A_57 = arith.constant 0 : i32
    %dma_wait3A_58 = tpu.memref_slice %arg2[%dma_wait3A_56, %dma_wait3A_57] : memref<20480x16xf32, #tpu.memory_space<hbm>> -> memref<20480x16xf32, #tpu.memory_space<hbm>>
    tpu.wait_indirect_dma semaphore(%arg7 : memref<!tpu.dma_semaphore, #tpu.memory_space<semaphore_mem>>) src(%dma_wait3A_58 : memref<20480x16xf32, #tpu.memory_space<hbm>>) dst(%dma_wait3A_52 : memref<128x16xf32, #tpu.memory_space<vmem>>)
    %dma_wait3A_59 = arith.constant 1 : i32
    %dma_wait3A_60 = arith.constant 128 : i32
    %dma_wait3A_61 = arith.constant 0 : i32
    %dma_wait3A_62 = tpu.memref_slice %arg6[%dma_wait3A_60, %dma_wait3A_61] : memref<640x16xf32, #tpu.memory_space<vmem>> -> memref<128x16xf32, #tpu.memory_space<vmem>>
    %dma_wait3A_63 = arith.constant 0 : i32
    %dma_wait3A_64 = tpu.memref_slice %arg5[%dma_wait3A_59, %dma_wait3A_63] : memref<5x128xi32, #tpu.memory_space<vmem>> -> memref<1x128xi32, #tpu.memory_space<vmem>>
    %dma_wait3A_65 = tpu.memref_squeeze %dma_wait3A_64 : memref<1x128xi32, #tpu.memory_space<vmem>> -> memref<128xi32, #tpu.memory_space<vmem>>
    %dma_wait3A_66 = arith.constant 0 : i32
    %dma_wait3A_67 = arith.constant 0 : i32
    %dma_wait3A_68 = tpu.memref_slice %arg2[%dma_wait3A_66, %dma_wait3A_67] : memref<20480x16xf32, #tpu.memory_space<hbm>> -> memref<20480x16xf32, #tpu.memory_space<hbm>>
    tpu.wait_indirect_dma semaphore(%arg7 : memref<!tpu.dma_semaphore, #tpu.memory_space<semaphore_mem>>) src(%dma_wait3A_68 : memref<20480x16xf32, #tpu.memory_space<hbm>>) dst(%dma_wait3A_62 : memref<128x16xf32, #tpu.memory_space<vmem>>)
    %dma_wait3A_69 = arith.constant 2 : i32
    %dma_wait3A_70 = arith.constant 256 : i32
    %dma_wait3A_71 = arith.constant 0 : i32
    %dma_wait3A_72 = tpu.memref_slice %arg6[%dma_wait3A_70, %dma_wait3A_71] : memref<640x16xf32, #tpu.memory_space<vmem>> -> memref<128x16xf32, #tpu.memory_space<vmem>>
    %dma_wait3A_73 = arith.constant 0 : i32
    %dma_wait3A_74 = tpu.memref_slice %arg5[%dma_wait3A_69, %dma_wait3A_73] : memref<5x128xi32, #tpu.memory_space<vmem>> -> memref<1x128xi32, #tpu.memory_space<vmem>>
    %dma_wait3A_75 = tpu.memref_squeeze %dma_wait3A_74 : memref<1x128xi32, #tpu.memory_space<vmem>> -> memref<128xi32, #tpu.memory_space<vmem>>
    %dma_wait3A_76 = arith.constant 0 : i32
    %dma_wait3A_77 = arith.constant 0 : i32
    %dma_wait3A_78 = tpu.memref_slice %arg2[%dma_wait3A_76, %dma_wait3A_77] : memref<20480x16xf32, #tpu.memory_space<hbm>> -> memref<20480x16xf32, #tpu.memory_space<hbm>>
    tpu.wait_indirect_dma semaphore(%arg7 : memref<!tpu.dma_semaphore, #tpu.memory_space<semaphore_mem>>) src(%dma_wait3A_78 : memref<20480x16xf32, #tpu.memory_space<hbm>>) dst(%dma_wait3A_72 : memref<128x16xf32, #tpu.memory_space<vmem>>)
    %dma_wait3A_79 = arith.constant 3 : i32
    %dma_wait3A_80 = arith.constant 384 : i32
    %dma_wait3A_81 = arith.constant 0 : i32
    %dma_wait3A_82 = tpu.memref_slice %arg6[%dma_wait3A_80, %dma_wait3A_81] : memref<640x16xf32, #tpu.memory_space<vmem>> -> memref<128x16xf32, #tpu.memory_space<vmem>>
    %dma_wait3A_83 = arith.constant 0 : i32
    %dma_wait3A_84 = tpu.memref_slice %arg5[%dma_wait3A_79, %dma_wait3A_83] : memref<5x128xi32, #tpu.memory_space<vmem>> -> memref<1x128xi32, #tpu.memory_space<vmem>>
    %dma_wait3A_85 = tpu.memref_squeeze %dma_wait3A_84 : memref<1x128xi32, #tpu.memory_space<vmem>> -> memref<128xi32, #tpu.memory_space<vmem>>
    %dma_wait3A_86 = arith.constant 0 : i32
    %dma_wait3A_87 = arith.constant 0 : i32
    %dma_wait3A_88 = tpu.memref_slice %arg2[%dma_wait3A_86, %dma_wait3A_87] : memref<20480x16xf32, #tpu.memory_space<hbm>> -> memref<20480x16xf32, #tpu.memory_space<hbm>>
    tpu.wait_indirect_dma semaphore(%arg7 : memref<!tpu.dma_semaphore, #tpu.memory_space<semaphore_mem>>) src(%dma_wait3A_88 : memref<20480x16xf32, #tpu.memory_space<hbm>>) dst(%dma_wait3A_82 : memref<128x16xf32, #tpu.memory_space<vmem>>)
    %dma_wait3A_89 = arith.constant 4 : i32
    %dma_wait3A_90 = arith.constant 512 : i32
    %dma_wait3A_91 = arith.constant 0 : i32
    %dma_wait3A_92 = tpu.memref_slice %arg6[%dma_wait3A_90, %dma_wait3A_91] : memref<640x16xf32, #tpu.memory_space<vmem>> -> memref<128x16xf32, #tpu.memory_space<vmem>>
    %dma_wait3A_93 = arith.constant 0 : i32
    %dma_wait3A_94 = tpu.memref_slice %arg5[%dma_wait3A_89, %dma_wait3A_93] : memref<5x128xi32, #tpu.memory_space<vmem>> -> memref<1x128xi32, #tpu.memory_space<vmem>>
    %dma_wait3A_95 = tpu.memref_squeeze %dma_wait3A_94 : memref<1x128xi32, #tpu.memory_space<vmem>> -> memref<128xi32, #tpu.memory_space<vmem>>
    %dma_wait3A_96 = arith.constant 0 : i32
    %dma_wait3A_97 = arith.constant 0 : i32
    %dma_wait3A_98 = tpu.memref_slice %arg2[%dma_wait3A_96, %dma_wait3A_97] : memref<20480x16xf32, #tpu.memory_space<hbm>> -> memref<20480x16xf32, #tpu.memory_space<hbm>>
    tpu.wait_indirect_dma semaphore(%arg7 : memref<!tpu.dma_semaphore, #tpu.memory_space<semaphore_mem>>) src(%dma_wait3A_98 : memref<20480x16xf32, #tpu.memory_space<hbm>>) dst(%dma_wait3A_92 : memref<128x16xf32, #tpu.memory_space<vmem>>)
    %mul3A_99 = arith.constant 640 : i32
    %mul3A_100 = arith.muli %add3A, %mul3A_99 : i32
    "tpu.region"() ({
      %run_scoped3A = tpu.sem_alloc : memref<!tpu.dma_semaphore, #tpu.memory_space<semaphore_mem>>
      %dma_start3A_101 = arith.constant 0 : i32
      %dma_start3A_102 = tpu.memref_slice %arg4[%mul3A_100, %dma_start3A_101] : memref<20480x16xf32, #tpu.memory_space<hbm>> -> memref<640x16xf32, #tpu.memory_space<hbm>>
      %dma_start3A_103 = arith.constant 0 : i32
      %dma_start3A_104 = tpu.memref_slice %arg4[%mul3A_100, %dma_start3A_103] : memref<20480x16xf32, #tpu.memory_space<hbm>> -> memref<640x16xf32, #tpu.memory_space<hbm>>
      tpu.enqueue_dma source(%arg6 : memref<640x16xf32, #tpu.memory_space<vmem>>) target(%dma_start3A_104 : memref<640x16xf32, #tpu.memory_space<hbm>>) target_semaphore(%run_scoped3A : memref<!tpu.dma_semaphore, #tpu.memory_space<semaphore_mem>>)
      %dma_wait3A_105 = arith.constant 0 : i32
      %dma_wait3A_106 = tpu.memref_slice %arg4[%mul3A_100, %dma_wait3A_105] : memref<20480x16xf32, #tpu.memory_space<hbm>> -> memref<640x16xf32, #tpu.memory_space<hbm>>
      %dma_wait3A_107 = arith.constant 0 : i32
      %dma_wait3A_108 = tpu.memref_slice %arg4[%mul3A_100, %dma_wait3A_107] : memref<20480x16xf32, #tpu.memory_space<hbm>> -> memref<640x16xf32, #tpu.memory_space<hbm>>
      tpu.wait_dma2 semaphore(%run_scoped3A : memref<!tpu.dma_semaphore, #tpu.memory_space<semaphore_mem>>) src(%arg6 : memref<640x16xf32, #tpu.memory_space<vmem>>) dst(%dma_wait3A_108 : memref<640x16xf32, #tpu.memory_space<hbm>>)
      tpu.yield
    }) : () -> ()
    return
  }
}

module attributes {stable_mosaic.version = 14 : i64} {
  func.func @_nms_body(%arg0: memref<160x128xf32, #tpu.memory_space<vmem>>, %arg1: memref<160x128xf32, #tpu.memory_space<vmem>>, %arg2: memref<160x128xf32, #tpu.memory_space<vmem>>, %arg3: memref<160x128xf32, #tpu.memory_space<vmem>>, %arg4: memref<160x128xf32, #tpu.memory_space<vmem>>, %arg5: memref<160x128xf32, #tpu.memory_space<vmem>>, %arg6: memref<160x128xf32, #tpu.memory_space<vmem>>, %arg7: memref<160x128xf32, #tpu.memory_space<vmem>>, %arg8: memref<160x128xf32, #tpu.memory_space<vmem>>, %arg9: memref<160x128xf32, #tpu.memory_space<vmem>>, %arg10: memref<160x128xf32, #tpu.memory_space<vmem>>, %arg11: memref<160x128xf32, #tpu.memory_space<vmem>>, %arg12: memref<160x128xf32, #tpu.memory_space<vmem>>, %arg13: memref<160x128xf32, #tpu.memory_space<vmem>>, %arg14: memref<160x128xf32, #tpu.memory_space<vmem>>, %arg15: memref<160x128xf32, #tpu.memory_space<vmem>>, %arg16: memref<160x128xi32, #tpu.memory_space<vmem>>) attributes {dimension_semantics = [], scalar_prefetch = 0 : i64, scratch_operands = 6 : i64, tpu.core_type = #tpu.core_type<tc>} {
    %get3A = arith.constant 0 : index
    %get3A_0 = arith.constant 0 : index
    %get3A_1 = vector.load %arg0[%get3A, %get3A_0] : memref<160x128xf32, #tpu.memory_space<vmem>>, vector<160x128xf32>
    %mul3A = arith.constant 6.400000e+02 : f32
    %mul3A_2 = vector.broadcast %mul3A : f32 to vector<160x128xf32>
    %mul3A_3 = arith.mulf %get3A_1, %mul3A_2 : vector<160x128xf32>
    %get3A_4 = arith.constant 0 : index
    %get3A_5 = arith.constant 0 : index
    %get3A_6 = vector.load %arg1[%get3A_4, %get3A_5] : memref<160x128xf32, #tpu.memory_space<vmem>>, vector<160x128xf32>
    %mul3A_7 = arith.constant 6.400000e+02 : f32
    %mul3A_8 = vector.broadcast %mul3A_7 : f32 to vector<160x128xf32>
    %mul3A_9 = arith.mulf %get3A_6, %mul3A_8 : vector<160x128xf32>
    %get3A_10 = arith.constant 0 : index
    %get3A_11 = arith.constant 0 : index
    %get3A_12 = vector.load %arg2[%get3A_10, %get3A_11] : memref<160x128xf32, #tpu.memory_space<vmem>>, vector<160x128xf32>
    %mul3A_13 = arith.constant 6.400000e+02 : f32
    %mul3A_14 = vector.broadcast %mul3A_13 : f32 to vector<160x128xf32>
    %mul3A_15 = arith.mulf %get3A_12, %mul3A_14 : vector<160x128xf32>
    %get3A_16 = arith.constant 0 : index
    %get3A_17 = arith.constant 0 : index
    %get3A_18 = vector.load %arg3[%get3A_16, %get3A_17] : memref<160x128xf32, #tpu.memory_space<vmem>>, vector<160x128xf32>
    %mul3A_19 = arith.constant 6.400000e+02 : f32
    %mul3A_20 = vector.broadcast %mul3A_19 : f32 to vector<160x128xf32>
    %mul3A_21 = arith.mulf %get3A_18, %mul3A_20 : vector<160x128xf32>
    %div3A = arith.constant 2.000000e+00 : f32
    %div3A_22 = vector.broadcast %div3A : f32 to vector<160x128xf32>
    %div3A_23 = arith.divf %mul3A_15, %div3A_22 : vector<160x128xf32>
    %sub3A = arith.subf %mul3A_3, %div3A_23 : vector<160x128xf32>
    %div3A_24 = arith.constant 2.000000e+00 : f32
    %div3A_25 = vector.broadcast %div3A_24 : f32 to vector<160x128xf32>
    %div3A_26 = arith.divf %mul3A_21, %div3A_25 : vector<160x128xf32>
    %sub3A_27 = arith.subf %mul3A_9, %div3A_26 : vector<160x128xf32>
    %div3A_28 = arith.constant 2.000000e+00 : f32
    %div3A_29 = vector.broadcast %div3A_28 : f32 to vector<160x128xf32>
    %div3A_30 = arith.divf %mul3A_15, %div3A_29 : vector<160x128xf32>
    %add3A = arith.addf %mul3A_3, %div3A_30 : vector<160x128xf32>
    %div3A_31 = arith.constant 2.000000e+00 : f32
    %div3A_32 = vector.broadcast %div3A_31 : f32 to vector<160x128xf32>
    %div3A_33 = arith.divf %mul3A_21, %div3A_32 : vector<160x128xf32>
    %add3A_34 = arith.addf %mul3A_9, %div3A_33 : vector<160x128xf32>
    %swap3A = arith.constant 0 : index
    %swap3A_35 = arith.constant 0 : index
    %swap3A_36 = vector.load %arg11[%swap3A, %swap3A_35] : memref<160x128xf32, #tpu.memory_space<vmem>>, vector<160x128xf32>
    tpu.vector_store %arg11[%swap3A, %swap3A_35], %sub3A {strides = array<i32>} : memref<160x128xf32, #tpu.memory_space<vmem>>, vector<160x128xf32>,
    %swap3A_37 = arith.constant 0 : index
    %swap3A_38 = arith.constant 0 : index
    %swap3A_39 = vector.load %arg12[%swap3A_37, %swap3A_38] : memref<160x128xf32, #tpu.memory_space<vmem>>, vector<160x128xf32>
    tpu.vector_store %arg12[%swap3A_37, %swap3A_38], %sub3A_27 {strides = array<i32>} : memref<160x128xf32, #tpu.memory_space<vmem>>, vector<160x128xf32>,
    %swap3A_40 = arith.constant 0 : index
    %swap3A_41 = arith.constant 0 : index
    %swap3A_42 = vector.load %arg13[%swap3A_40, %swap3A_41] : memref<160x128xf32, #tpu.memory_space<vmem>>, vector<160x128xf32>
    tpu.vector_store %arg13[%swap3A_40, %swap3A_41], %add3A {strides = array<i32>} : memref<160x128xf32, #tpu.memory_space<vmem>>, vector<160x128xf32>,
    %swap3A_43 = arith.constant 0 : index
    %swap3A_44 = arith.constant 0 : index
    %swap3A_45 = vector.load %arg14[%swap3A_43, %swap3A_44] : memref<160x128xf32, #tpu.memory_space<vmem>>, vector<160x128xf32>
    tpu.vector_store %arg14[%swap3A_43, %swap3A_44], %add3A_34 {strides = array<i32>} : memref<160x128xf32, #tpu.memory_space<vmem>>, vector<160x128xf32>,
    %sub3A_46 = arith.subf %add3A, %sub3A : vector<160x128xf32>
    %sub3A_47 = arith.subf %add3A_34, %sub3A_27 : vector<160x128xf32>
    %mul3A_48 = arith.mulf %sub3A_46, %sub3A_47 : vector<160x128xf32>
    %swap3A_49 = arith.constant 0 : index
    %swap3A_50 = arith.constant 0 : index
    %swap3A_51 = vector.load %arg15[%swap3A_49, %swap3A_50] : memref<160x128xf32, #tpu.memory_space<vmem>>, vector<160x128xf32>
    tpu.vector_store %arg15[%swap3A_49, %swap3A_50], %mul3A_48 {strides = array<i32>} : memref<160x128xf32, #tpu.memory_space<vmem>>, vector<160x128xf32>,
    %iota3A = tpu.iota {dimensions = array<i32: 0>} : vector<160x128xi32>
    %iota3A_52 = tpu.iota {dimensions = array<i32: 1>} : vector<160x128xi32>
    %mul3A_53 = arith.constant 128 : i32
    %mul3A_54 = vector.broadcast %mul3A_53 : i32 to vector<160x128xi32>
    %mul3A_55 = arith.muli %iota3A, %mul3A_54 : vector<160x128xi32>
    %add3A_56 = arith.addi %mul3A_55, %iota3A_52 : vector<160x128xi32>
    %swap3A_57 = arith.constant 0 : index
    %swap3A_58 = arith.constant 0 : index
    %swap3A_59 = vector.load %arg16[%swap3A_57, %swap3A_58] : memref<160x128xi32, #tpu.memory_space<vmem>>, vector<160x128xi32>
    tpu.vector_store %arg16[%swap3A_57, %swap3A_58], %add3A_56 {strides = array<i32>} : memref<160x128xi32, #tpu.memory_space<vmem>>, vector<160x128xi32>,
    %broadcast_in_dim3A = arith.constant 0.000000e+00 : f32
    %broadcast_in_dim3A_60 = vector.broadcast %broadcast_in_dim3A : f32 to vector<160x128xf32>
    %swap3A_61 = arith.constant 0 : index
    %swap3A_62 = arith.constant 0 : index
    %swap3A_63 = vector.load %arg5[%swap3A_61, %swap3A_62] : memref<160x128xf32, #tpu.memory_space<vmem>>, vector<160x128xf32>
    tpu.vector_store %arg5[%swap3A_61, %swap3A_62], %broadcast_in_dim3A_60 {strides = array<i32>} : memref<160x128xf32, #tpu.memory_space<vmem>>, vector<160x128xf32>,
    %get3A_64 = arith.constant 0 : index
    %get3A_65 = arith.constant 0 : index
    %get3A_66 = vector.load %arg4[%get3A_64, %get3A_65] : memref<160x128xf32, #tpu.memory_space<vmem>>, vector<160x128xf32>
    %ge3A = arith.constant 2.500000e-01 : f32
    %ge3A_67 = vector.broadcast %ge3A : f32 to vector<160x128xf32>
    %ge3A_68 = arith.cmpf oge, %get3A_66, %ge3A_67 : vector<160x128xf32>
    %convert_element_type3A = arith.extui %ge3A_68 : vector<160x128xi1> to vector<160x128xi32>
    %reduce_sum3A = vector.shape_cast %convert_element_type3A : vector<160x128xi32> to vector<1x160x128xi32>
    %reduce_sum3A_69 = arith.constant dense<0> : vector<1xi32>
    %reduce_sum3A_70 = vector.multi_reduction <add>, %reduce_sum3A, %reduce_sum3A_69 [1, 2] : vector<1x160x128xi32> to vector<1xi32>
    %reduce_sum3A_71 = vector.shape_cast %reduce_sum3A_70 : vector<1xi32> to vector<1x1x1xi32>
    %reduce_sum3A_72 = vector.extract %reduce_sum3A_71[0, 0, 0] : i32 from vector<1x1x1xi32>
    %add3A_73 = arith.constant 1023 : i32
    %add3A_74 = arith.addi %reduce_sum3A_72, %add3A_73 : i32
    %jit3A = arith.constant 1024 : i32
    %div3A_75 = arith.divsi %add3A_74, %jit3A : i32
    %sign3A = arith.constant 0 : i32
    %sign3A_76 = arith.cmpi sgt, %add3A_74, %sign3A : i32
    %sign3A_77 = arith.extui %sign3A_76 : i1 to i32
    %sign3A_78 = arith.constant 0 : i32
    %sign3A_79 = arith.cmpi slt, %add3A_74, %sign3A_78 : i32
    %sign3A_80 = arith.extui %sign3A_79 : i1 to i32
    %sign3A_81 = arith.subi %sign3A_77, %sign3A_80 : i32
    %sign3A_82 = arith.constant 0 : i32
    %sign3A_83 = arith.cmpi sgt, %jit3A, %sign3A_82 : i32
    %sign3A_84 = arith.extui %sign3A_83 : i1 to i32
    %sign3A_85 = arith.constant 0 : i32
    %sign3A_86 = arith.cmpi slt, %jit3A, %sign3A_85 : i32
    %sign3A_87 = arith.extui %sign3A_86 : i1 to i32
    %sign3A_88 = arith.subi %sign3A_84, %sign3A_87 : i32
    %ne3A = arith.cmpi ne, %sign3A_81, %sign3A_88 : i32
    %rem3A = arith.remsi %add3A_74, %jit3A : i32
    %ne3A_89 = arith.constant 0 : i32
    %ne3A_90 = arith.cmpi ne, %rem3A, %ne3A_89 : i32
    %and3A = arith.andi %ne3A, %ne3A_90 : i1
    %sub3A_91 = arith.constant 1 : i32
    %sub3A_92 = arith.subi %div3A_75, %sub3A_91 : i32
    %select_n3A = arith.select %and3A, %sub3A_92, %div3A_75 : i32
    %iota3A_93 = tpu.iota {dimensions = array<i32: 1>} : vector<1x128xi32>
    %while3A = arith.constant 0 : i32
    %while3A_94 = arith.constant 0 : i32
    %while3A_95 = arith.subi %reduce_sum3A_72, %while3A_94 : i32
    %while3A_96 = arith.addi %while3A_94, %while3A_95 : i32
    %while3A_97 = arith.constant 1 : i32
    %while3A_98 = arith.divsi %while3A_95, %while3A_97 : i32
    %while3A_99 = arith.muli %while3A_98, %while3A_97 : i32
    %while3A_100 = arith.addi %while3A_94, %while3A_99 : i32
    %while3A_101 = arith.constant 1 : i32
    scf.for %while3A_156 = %while3A_94 to %while3A_100 step %while3A_101  : i32 {
      %jit3A_157 = arith.constant 128 : i32
      %div3A_158 = arith.divsi %while3A_156, %jit3A_157 : i32
      %sign3A_159 = arith.constant 0 : i32
      %sign3A_160 = arith.cmpi sgt, %while3A_156, %sign3A_159 : i32
      %sign3A_161 = arith.extui %sign3A_160 : i1 to i32
      %sign3A_162 = arith.constant 0 : i32
      %sign3A_163 = arith.cmpi slt, %while3A_156, %sign3A_162 : i32
      %sign3A_164 = arith.extui %sign3A_163 : i1 to i32
      %sign3A_165 = arith.subi %sign3A_161, %sign3A_164 : i32
      %sign3A_166 = arith.constant 0 : i32
      %sign3A_167 = arith.cmpi sgt, %jit3A_157, %sign3A_166 : i32
      %sign3A_168 = arith.extui %sign3A_167 : i1 to i32
      %sign3A_169 = arith.constant 0 : i32
      %sign3A_170 = arith.cmpi slt, %jit3A_157, %sign3A_169 : i32
      %sign3A_171 = arith.extui %sign3A_170 : i1 to i32
      %sign3A_172 = arith.subi %sign3A_168, %sign3A_171 : i32
      %ne3A_173 = arith.cmpi ne, %sign3A_165, %sign3A_172 : i32
      %rem3A_174 = arith.remsi %while3A_156, %jit3A_157 : i32
      %ne3A_175 = arith.constant 0 : i32
      %ne3A_176 = arith.cmpi ne, %rem3A_174, %ne3A_175 : i32
      %and3A_177 = arith.andi %ne3A_173, %ne3A_176 : i1
      %sub3A_178 = arith.constant 1 : i32
      %sub3A_179 = arith.subi %div3A_158, %sub3A_178 : i32
      %select_n3A_180 = arith.select %and3A_177, %sub3A_179, %div3A_158 : i32
      %jit3A_181 = arith.constant 128 : i32
      %eq3A_182 = arith.constant 0 : i32
      %eq3A_183 = arith.cmpi eq, %jit3A_181, %eq3A_182 : i32
      %jit3A_184 = arith.constant 1 : i32
      %select_n3A_185 = arith.select %eq3A_183, %jit3A_184, %jit3A_181 : i32
      %rem3A_186 = arith.remsi %while3A_156, %select_n3A_185 : i32
      %ne3A_187 = arith.constant 0 : i32
      %ne3A_188 = arith.cmpi ne, %rem3A_186, %ne3A_187 : i32
      %lt3A = arith.constant 0 : i32
      %lt3A_189 = arith.cmpi slt, %rem3A_186, %lt3A : i32
      %lt3A_190 = arith.constant 0 : i32
      %lt3A_191 = arith.cmpi slt, %select_n3A_185, %lt3A_190 : i32
      %ne3A_192 = arith.xori %lt3A_189, %lt3A_191 : i1
      %and3A_193 = arith.andi %ne3A_192, %ne3A_188 : i1
      %add3A_194 = arith.addi %rem3A_186, %select_n3A_185 : i32
      %select_n3A_195 = arith.select %and3A_193, %add3A_194, %rem3A_186 : i32
      %eq3A_196 = vector.broadcast %select_n3A_195 : i32 to vector<1x128xi32>
      %eq3A_197 = arith.cmpi eq, %iota3A_93, %eq3A_196 : vector<1x128xi32>
      %get3A_198 = arith.index_cast %select_n3A_180 : i32 to index
      %get3A_199 = arith.constant 0 : index
      %get3A_200 = vector.load %arg5[%get3A_198, %get3A_199] : memref<160x128xf32, #tpu.memory_space<vmem>>, vector<1x128xf32>
      %jit3A_201 = arith.constant 0.000000e+00 : f32
      %broadcast_in_dim3A_202 = vector.broadcast %jit3A_201 : f32 to vector<1x128xf32>
      %select_n3A_203 = arith.select %eq3A_197, %get3A_200, %broadcast_in_dim3A_202 : vector<1x128xi1>, vector<1x128xf32>
      %reduce_max3A = vector.shape_cast %select_n3A_203 : vector<1x128xf32> to vector<1x1x128xf32>
      %reduce_max3A_204 = arith.constant dense<0xFF800000> : vector<1xf32>
      %reduce_max3A_205 = vector.multi_reduction <maximumf>, %reduce_max3A, %reduce_max3A_204 [1, 2] : vector<1x1x128xf32> to vector<1xf32>
      %reduce_max3A_206 = vector.shape_cast %reduce_max3A_205 : vector<1xf32> to vector<1x1x1xf32>
      %reduce_max3A_207 = vector.extract %reduce_max3A_206[0, 0, 0] : f32 from vector<1x1x1xf32>
      %eq3A_208 = arith.constant 0.000000e+00 : f32
      %eq3A_209 = arith.cmpf oeq, %reduce_max3A_207, %eq3A_208 : f32
      %convert_element_type3A_210 = arith.extui %eq3A_209 : i1 to i32
      %cond3A = arith.constant 0 : i32
      %cond3A_211 = arith.cmpi ne, %convert_element_type3A_210, %cond3A : i32
      scf.if %cond3A_211 {
        %get3A_212 = arith.index_cast %select_n3A_180 : i32 to index
        %get3A_213 = arith.constant 0 : index
        %get3A_214 = vector.load %arg11[%get3A_212, %get3A_213] : memref<160x128xf32, #tpu.memory_space<vmem>>, vector<1x128xf32>
        %jit3A_215 = arith.constant -3.000000e+38 : f32
        %broadcast_in_dim3A_216 = vector.broadcast %jit3A_215 : f32 to vector<1x128xf32>
        %select_n3A_217 = arith.select %eq3A_197, %get3A_214, %broadcast_in_dim3A_216 : vector<1x128xi1>, vector<1x128xf32>
        %reduce_max3A_218 = vector.shape_cast %select_n3A_217 : vector<1x128xf32> to vector<1x1x128xf32>
        %reduce_max3A_219 = arith.constant dense<0xFF800000> : vector<1xf32>
        %reduce_max3A_220 = vector.multi_reduction <maximumf>, %reduce_max3A_218, %reduce_max3A_219 [1, 2] : vector<1x1x128xf32> to vector<1xf32>
        %reduce_max3A_221 = vector.shape_cast %reduce_max3A_220 : vector<1xf32> to vector<1x1x1xf32>
        %reduce_max3A_222 = vector.extract %reduce_max3A_221[0, 0, 0] : f32 from vector<1x1x1xf32>
        %get3A_223 = arith.index_cast %select_n3A_180 : i32 to index
        %get3A_224 = arith.constant 0 : index
        %get3A_225 = vector.load %arg12[%get3A_223, %get3A_224] : memref<160x128xf32, #tpu.memory_space<vmem>>, vector<1x128xf32>
        %jit3A_226 = arith.constant -3.000000e+38 : f32
        %broadcast_in_dim3A_227 = vector.broadcast %jit3A_226 : f32 to vector<1x128xf32>
        %select_n3A_228 = arith.select %eq3A_197, %get3A_225, %broadcast_in_dim3A_227 : vector<1x128xi1>, vector<1x128xf32>
        %reduce_max3A_229 = vector.shape_cast %select_n3A_228 : vector<1x128xf32> to vector<1x1x128xf32>
        %reduce_max3A_230 = arith.constant dense<0xFF800000> : vector<1xf32>
        %reduce_max3A_231 = vector.multi_reduction <maximumf>, %reduce_max3A_229, %reduce_max3A_230 [1, 2] : vector<1x1x128xf32> to vector<1xf32>
        %reduce_max3A_232 = vector.shape_cast %reduce_max3A_231 : vector<1xf32> to vector<1x1x1xf32>
        %reduce_max3A_233 = vector.extract %reduce_max3A_232[0, 0, 0] : f32 from vector<1x1x1xf32>
        %get3A_234 = arith.index_cast %select_n3A_180 : i32 to index
        %get3A_235 = arith.constant 0 : index
        %get3A_236 = vector.load %arg13[%get3A_234, %get3A_235] : memref<160x128xf32, #tpu.memory_space<vmem>>, vector<1x128xf32>
        %jit3A_237 = arith.constant -3.000000e+38 : f32
        %broadcast_in_dim3A_238 = vector.broadcast %jit3A_237 : f32 to vector<1x128xf32>
        %select_n3A_239 = arith.select %eq3A_197, %get3A_236, %broadcast_in_dim3A_238 : vector<1x128xi1>, vector<1x128xf32>
        %reduce_max3A_240 = vector.shape_cast %select_n3A_239 : vector<1x128xf32> to vector<1x1x128xf32>
        %reduce_max3A_241 = arith.constant dense<0xFF800000> : vector<1xf32>
        %reduce_max3A_242 = vector.multi_reduction <maximumf>, %reduce_max3A_240, %reduce_max3A_241 [1, 2] : vector<1x1x128xf32> to vector<1xf32>
        %reduce_max3A_243 = vector.shape_cast %reduce_max3A_242 : vector<1xf32> to vector<1x1x1xf32>
        %reduce_max3A_244 = vector.extract %reduce_max3A_243[0, 0, 0] : f32 from vector<1x1x1xf32>
        %get3A_245 = arith.index_cast %select_n3A_180 : i32 to index
        %get3A_246 = arith.constant 0 : index
        %get3A_247 = vector.load %arg14[%get3A_245, %get3A_246] : memref<160x128xf32, #tpu.memory_space<vmem>>, vector<1x128xf32>
        %jit3A_248 = arith.constant -3.000000e+38 : f32
        %broadcast_in_dim3A_249 = vector.broadcast %jit3A_248 : f32 to vector<1x128xf32>
        %select_n3A_250 = arith.select %eq3A_197, %get3A_247, %broadcast_in_dim3A_249 : vector<1x128xi1>, vector<1x128xf32>
        %reduce_max3A_251 = vector.shape_cast %select_n3A_250 : vector<1x128xf32> to vector<1x1x128xf32>
        %reduce_max3A_252 = arith.constant dense<0xFF800000> : vector<1xf32>
        %reduce_max3A_253 = vector.multi_reduction <maximumf>, %reduce_max3A_251, %reduce_max3A_252 [1, 2] : vector<1x1x128xf32> to vector<1xf32>
        %reduce_max3A_254 = vector.shape_cast %reduce_max3A_253 : vector<1xf32> to vector<1x1x1xf32>
        %reduce_max3A_255 = vector.extract %reduce_max3A_254[0, 0, 0] : f32 from vector<1x1x1xf32>
        %get3A_256 = arith.index_cast %select_n3A_180 : i32 to index
        %get3A_257 = arith.constant 0 : index
        %get3A_258 = vector.load %arg15[%get3A_256, %get3A_257] : memref<160x128xf32, #tpu.memory_space<vmem>>, vector<1x128xf32>
        %jit3A_259 = arith.constant -3.000000e+38 : f32
        %broadcast_in_dim3A_260 = vector.broadcast %jit3A_259 : f32 to vector<1x128xf32>
        %select_n3A_261 = arith.select %eq3A_197, %get3A_258, %broadcast_in_dim3A_260 : vector<1x128xi1>, vector<1x128xf32>
        %reduce_max3A_262 = vector.shape_cast %select_n3A_261 : vector<1x128xf32> to vector<1x1x128xf32>
        %reduce_max3A_263 = arith.constant dense<0xFF800000> : vector<1xf32>
        %reduce_max3A_264 = vector.multi_reduction <maximumf>, %reduce_max3A_262, %reduce_max3A_263 [1, 2] : vector<1x1x128xf32> to vector<1xf32>
        %reduce_max3A_265 = vector.shape_cast %reduce_max3A_264 : vector<1xf32> to vector<1x1x1xf32>
        %reduce_max3A_266 = vector.extract %reduce_max3A_265[0, 0, 0] : f32 from vector<1x1x1xf32>
        %jit3A_267 = arith.constant 8 : i32
        %div3A_268 = arith.divsi %select_n3A_180, %jit3A_267 : i32
        %sign3A_269 = arith.constant 0 : i32
        %sign3A_270 = arith.cmpi sgt, %select_n3A_180, %sign3A_269 : i32
        %sign3A_271 = arith.extui %sign3A_270 : i1 to i32
        %sign3A_272 = arith.constant 0 : i32
        %sign3A_273 = arith.cmpi slt, %select_n3A_180, %sign3A_272 : i32
        %sign3A_274 = arith.extui %sign3A_273 : i1 to i32
        %sign3A_275 = arith.subi %sign3A_271, %sign3A_274 : i32
        %sign3A_276 = arith.constant 0 : i32
        %sign3A_277 = arith.cmpi sgt, %jit3A_267, %sign3A_276 : i32
        %sign3A_278 = arith.extui %sign3A_277 : i1 to i32
        %sign3A_279 = arith.constant 0 : i32
        %sign3A_280 = arith.cmpi slt, %jit3A_267, %sign3A_279 : i32
        %sign3A_281 = arith.extui %sign3A_280 : i1 to i32
        %sign3A_282 = arith.subi %sign3A_278, %sign3A_281 : i32
        %ne3A_283 = arith.cmpi ne, %sign3A_275, %sign3A_282 : i32
        %rem3A_284 = arith.remsi %select_n3A_180, %jit3A_267 : i32
        %ne3A_285 = arith.constant 0 : i32
        %ne3A_286 = arith.cmpi ne, %rem3A_284, %ne3A_285 : i32
        %and3A_287 = arith.andi %ne3A_283, %ne3A_286 : i1
        %sub3A_288 = arith.constant 1 : i32
        %sub3A_289 = arith.subi %div3A_268, %sub3A_288 : i32
        %select_n3A_290 = arith.select %and3A_287, %sub3A_289, %div3A_268 : i32
        %while3A_291 = arith.constant 0 : i32
        %while3A_292 = arith.subi %select_n3A, %select_n3A_290 : i32
        %while3A_293 = arith.addi %select_n3A_290, %while3A_292 : i32
        %while3A_294 = arith.constant 1 : i32
        %while3A_295 = arith.divsi %while3A_292, %while3A_294 : i32
        %while3A_296 = arith.muli %while3A_295, %while3A_294 : i32
        %while3A_297 = arith.addi %select_n3A_290, %while3A_296 : i32
        %while3A_298 = arith.constant 1 : i32
        scf.for %while3A_300 = %select_n3A_290 to %while3A_297 step %while3A_298  : i32 {
          %mul3A_301 = arith.constant 8 : i32
          %mul3A_302 = arith.muli %while3A_300, %mul3A_301 : i32
          %get3A_303 = arith.index_cast %mul3A_302 : i32 to index
          %get3A_304 = arith.constant 0 : index
          %get3A_305 = vector.load %arg11[%get3A_303, %get3A_304] : memref<160x128xf32, #tpu.memory_space<vmem>>, vector<8x128xf32>
          %max3A = vector.broadcast %reduce_max3A_222 : f32 to vector<8x128xf32>
          %max3A_306 = arith.maximumf %get3A_305, %max3A : vector<8x128xf32>
          %get3A_307 = arith.index_cast %mul3A_302 : i32 to index
          %get3A_308 = arith.constant 0 : index
          %get3A_309 = vector.load %arg12[%get3A_307, %get3A_308] : memref<160x128xf32, #tpu.memory_space<vmem>>, vector<8x128xf32>
          %max3A_310 = vector.broadcast %reduce_max3A_233 : f32 to vector<8x128xf32>
          %max3A_311 = arith.maximumf %get3A_309, %max3A_310 : vector<8x128xf32>
          %get3A_312 = arith.index_cast %mul3A_302 : i32 to index
          %get3A_313 = arith.constant 0 : index
          %get3A_314 = vector.load %arg13[%get3A_312, %get3A_313] : memref<160x128xf32, #tpu.memory_space<vmem>>, vector<8x128xf32>
          %min3A = vector.broadcast %reduce_max3A_244 : f32 to vector<8x128xf32>
          %min3A_315 = arith.minimumf %get3A_314, %min3A : vector<8x128xf32>
          %get3A_316 = arith.index_cast %mul3A_302 : i32 to index
          %get3A_317 = arith.constant 0 : index
          %get3A_318 = vector.load %arg14[%get3A_316, %get3A_317] : memref<160x128xf32, #tpu.memory_space<vmem>>, vector<8x128xf32>
          %min3A_319 = vector.broadcast %reduce_max3A_255 : f32 to vector<8x128xf32>
          %min3A_320 = arith.minimumf %get3A_318, %min3A_319 : vector<8x128xf32>
          %sub3A_321 = arith.subf %min3A_315, %max3A_306 : vector<8x128xf32>
          %max3A_322 = arith.constant 0.000000e+00 : f32
          %max3A_323 = vector.broadcast %max3A_322 : f32 to vector<8x128xf32>
          %max3A_324 = arith.maximumf %sub3A_321, %max3A_323 : vector<8x128xf32>
          %sub3A_325 = arith.subf %min3A_320, %max3A_311 : vector<8x128xf32>
          %max3A_326 = arith.constant 0.000000e+00 : f32
          %max3A_327 = vector.broadcast %max3A_326 : f32 to vector<8x128xf32>
          %max3A_328 = arith.maximumf %sub3A_325, %max3A_327 : vector<8x128xf32>
          %mul3A_329 = arith.mulf %max3A_324, %max3A_328 : vector<8x128xf32>
          %get3A_330 = arith.index_cast %mul3A_302 : i32 to index
          %get3A_331 = arith.constant 0 : index
          %get3A_332 = vector.load %arg15[%get3A_330, %get3A_331] : memref<160x128xf32, #tpu.memory_space<vmem>>, vector<8x128xf32>
          %add3A_333 = vector.broadcast %reduce_max3A_266 : f32 to vector<8x128xf32>
          %add3A_334 = arith.addf %add3A_333, %get3A_332 : vector<8x128xf32>
          %sub3A_335 = arith.subf %add3A_334, %mul3A_329 : vector<8x128xf32>
          %div3A_336 = arith.divf %mul3A_329, %sub3A_335 : vector<8x128xf32>
          %gt3A = arith.constant 5.000000e-01 : f32
          %gt3A_337 = vector.broadcast %gt3A : f32 to vector<8x128xf32>
          %gt3A_338 = arith.cmpf ogt, %div3A_336, %gt3A_337 : vector<8x128xf32>
          %get3A_339 = arith.index_cast %mul3A_302 : i32 to index
          %get3A_340 = arith.constant 0 : index
          %get3A_341 = vector.load %arg16[%get3A_339, %get3A_340] : memref<160x128xi32, #tpu.memory_space<vmem>>, vector<8x128xi32>
          %gt3A_342 = vector.broadcast %while3A_156 : i32 to vector<8x128xi32>
          %gt3A_343 = arith.cmpi sgt, %get3A_341, %gt3A_342 : vector<8x128xi32>
          %and3A_344 = arith.andi %gt3A_338, %gt3A_343 : vector<8x128xi1>
          %get3A_345 = arith.index_cast %mul3A_302 : i32 to index
          %get3A_346 = arith.constant 0 : index
          %get3A_347 = vector.load %arg5[%get3A_345, %get3A_346] : memref<160x128xf32, #tpu.memory_space<vmem>>, vector<8x128xf32>
          %jit3A_348 = arith.constant 1.000000e+00 : f32
          %broadcast_in_dim3A_349 = vector.broadcast %jit3A_348 : f32 to vector<8x128xf32>
          %select_n3A_350 = arith.select %and3A_344, %broadcast_in_dim3A_349, %get3A_347 : vector<8x128xi1>, vector<8x128xf32>
          %swap3A_351 = arith.index_cast %mul3A_302 : i32 to index
          %swap3A_352 = arith.constant 0 : index
          %swap3A_353 = vector.load %arg5[%swap3A_351, %swap3A_352] : memref<160x128xf32, #tpu.memory_space<vmem>>, vector<8x128xf32>
          tpu.vector_store %arg5[%swap3A_351, %swap3A_352], %select_n3A_350 {strides = array<i32>} : memref<160x128xf32, #tpu.memory_space<vmem>>, vector<8x128xf32>,
        }
        %while3A_299 = arith.constant 1 : i32
        scf.for %while3A_300 = %while3A_297 to %while3A_293 step %while3A_299  : i32 {
          %mul3A_301 = arith.constant 8 : i32
          %mul3A_302 = arith.muli %while3A_300, %mul3A_301 : i32
          %get3A_303 = arith.index_cast %mul3A_302 : i32 to index
          %get3A_304 = arith.constant 0 : index
          %get3A_305 = vector.load %arg11[%get3A_303, %get3A_304] : memref<160x128xf32, #tpu.memory_space<vmem>>, vector<8x128xf32>
          %max3A = vector.broadcast %reduce_max3A_222 : f32 to vector<8x128xf32>
          %max3A_306 = arith.maximumf %get3A_305, %max3A : vector<8x128xf32>
          %get3A_307 = arith.index_cast %mul3A_302 : i32 to index
          %get3A_308 = arith.constant 0 : index
          %get3A_309 = vector.load %arg12[%get3A_307, %get3A_308] : memref<160x128xf32, #tpu.memory_space<vmem>>, vector<8x128xf32>
          %max3A_310 = vector.broadcast %reduce_max3A_233 : f32 to vector<8x128xf32>
          %max3A_311 = arith.maximumf %get3A_309, %max3A_310 : vector<8x128xf32>
          %get3A_312 = arith.index_cast %mul3A_302 : i32 to index
          %get3A_313 = arith.constant 0 : index
          %get3A_314 = vector.load %arg13[%get3A_312, %get3A_313] : memref<160x128xf32, #tpu.memory_space<vmem>>, vector<8x128xf32>
          %min3A = vector.broadcast %reduce_max3A_244 : f32 to vector<8x128xf32>
          %min3A_315 = arith.minimumf %get3A_314, %min3A : vector<8x128xf32>
          %get3A_316 = arith.index_cast %mul3A_302 : i32 to index
          %get3A_317 = arith.constant 0 : index
          %get3A_318 = vector.load %arg14[%get3A_316, %get3A_317] : memref<160x128xf32, #tpu.memory_space<vmem>>, vector<8x128xf32>
          %min3A_319 = vector.broadcast %reduce_max3A_255 : f32 to vector<8x128xf32>
          %min3A_320 = arith.minimumf %get3A_318, %min3A_319 : vector<8x128xf32>
          %sub3A_321 = arith.subf %min3A_315, %max3A_306 : vector<8x128xf32>
          %max3A_322 = arith.constant 0.000000e+00 : f32
          %max3A_323 = vector.broadcast %max3A_322 : f32 to vector<8x128xf32>
          %max3A_324 = arith.maximumf %sub3A_321, %max3A_323 : vector<8x128xf32>
          %sub3A_325 = arith.subf %min3A_320, %max3A_311 : vector<8x128xf32>
          %max3A_326 = arith.constant 0.000000e+00 : f32
          %max3A_327 = vector.broadcast %max3A_326 : f32 to vector<8x128xf32>
          %max3A_328 = arith.maximumf %sub3A_325, %max3A_327 : vector<8x128xf32>
          %mul3A_329 = arith.mulf %max3A_324, %max3A_328 : vector<8x128xf32>
          %get3A_330 = arith.index_cast %mul3A_302 : i32 to index
          %get3A_331 = arith.constant 0 : index
          %get3A_332 = vector.load %arg15[%get3A_330, %get3A_331] : memref<160x128xf32, #tpu.memory_space<vmem>>, vector<8x128xf32>
          %add3A_333 = vector.broadcast %reduce_max3A_266 : f32 to vector<8x128xf32>
          %add3A_334 = arith.addf %add3A_333, %get3A_332 : vector<8x128xf32>
          %sub3A_335 = arith.subf %add3A_334, %mul3A_329 : vector<8x128xf32>
          %div3A_336 = arith.divf %mul3A_329, %sub3A_335 : vector<8x128xf32>
          %gt3A = arith.constant 5.000000e-01 : f32
          %gt3A_337 = vector.broadcast %gt3A : f32 to vector<8x128xf32>
          %gt3A_338 = arith.cmpf ogt, %div3A_336, %gt3A_337 : vector<8x128xf32>
          %get3A_339 = arith.index_cast %mul3A_302 : i32 to index
          %get3A_340 = arith.constant 0 : index
          %get3A_341 = vector.load %arg16[%get3A_339, %get3A_340] : memref<160x128xi32, #tpu.memory_space<vmem>>, vector<8x128xi32>
          %gt3A_342 = vector.broadcast %while3A_156 : i32 to vector<8x128xi32>
          %gt3A_343 = arith.cmpi sgt, %get3A_341, %gt3A_342 : vector<8x128xi32>
          %and3A_344 = arith.andi %gt3A_338, %gt3A_343 : vector<8x128xi1>
          %get3A_345 = arith.index_cast %mul3A_302 : i32 to index
          %get3A_346 = arith.constant 0 : index
          %get3A_347 = vector.load %arg5[%get3A_345, %get3A_346] : memref<160x128xf32, #tpu.memory_space<vmem>>, vector<8x128xf32>
          %jit3A_348 = arith.constant 1.000000e+00 : f32
          %broadcast_in_dim3A_349 = vector.broadcast %jit3A_348 : f32 to vector<8x128xf32>
          %select_n3A_350 = arith.select %and3A_344, %broadcast_in_dim3A_349, %get3A_347 : vector<8x128xi1>, vector<8x128xf32>
          %swap3A_351 = arith.index_cast %mul3A_302 : i32 to index
          %swap3A_352 = arith.constant 0 : index
          %swap3A_353 = vector.load %arg5[%swap3A_351, %swap3A_352] : memref<160x128xf32, #tpu.memory_space<vmem>>, vector<8x128xf32>
          tpu.vector_store %arg5[%swap3A_351, %swap3A_352], %select_n3A_350 {strides = array<i32>} : memref<160x128xf32, #tpu.memory_space<vmem>>, vector<8x128xf32>,
        }
      } else {
      }
    }
    %while3A_102 = arith.constant 1 : i32
    scf.for %while3A_156 = %while3A_100 to %while3A_96 step %while3A_102  : i32 {
      %jit3A_157 = arith.constant 128 : i32
      %div3A_158 = arith.divsi %while3A_156, %jit3A_157 : i32
      %sign3A_159 = arith.constant 0 : i32
      %sign3A_160 = arith.cmpi sgt, %while3A_156, %sign3A_159 : i32
      %sign3A_161 = arith.extui %sign3A_160 : i1 to i32
      %sign3A_162 = arith.constant 0 : i32
      %sign3A_163 = arith.cmpi slt, %while3A_156, %sign3A_162 : i32
      %sign3A_164 = arith.extui %sign3A_163 : i1 to i32
      %sign3A_165 = arith.subi %sign3A_161, %sign3A_164 : i32
      %sign3A_166 = arith.constant 0 : i32
      %sign3A_167 = arith.cmpi sgt, %jit3A_157, %sign3A_166 : i32
      %sign3A_168 = arith.extui %sign3A_167 : i1 to i32
      %sign3A_169 = arith.constant 0 : i32
      %sign3A_170 = arith.cmpi slt, %jit3A_157, %sign3A_169 : i32
      %sign3A_171 = arith.extui %sign3A_170 : i1 to i32
      %sign3A_172 = arith.subi %sign3A_168, %sign3A_171 : i32
      %ne3A_173 = arith.cmpi ne, %sign3A_165, %sign3A_172 : i32
      %rem3A_174 = arith.remsi %while3A_156, %jit3A_157 : i32
      %ne3A_175 = arith.constant 0 : i32
      %ne3A_176 = arith.cmpi ne, %rem3A_174, %ne3A_175 : i32
      %and3A_177 = arith.andi %ne3A_173, %ne3A_176 : i1
      %sub3A_178 = arith.constant 1 : i32
      %sub3A_179 = arith.subi %div3A_158, %sub3A_178 : i32
      %select_n3A_180 = arith.select %and3A_177, %sub3A_179, %div3A_158 : i32
      %jit3A_181 = arith.constant 128 : i32
      %eq3A_182 = arith.constant 0 : i32
      %eq3A_183 = arith.cmpi eq, %jit3A_181, %eq3A_182 : i32
      %jit3A_184 = arith.constant 1 : i32
      %select_n3A_185 = arith.select %eq3A_183, %jit3A_184, %jit3A_181 : i32
      %rem3A_186 = arith.remsi %while3A_156, %select_n3A_185 : i32
      %ne3A_187 = arith.constant 0 : i32
      %ne3A_188 = arith.cmpi ne, %rem3A_186, %ne3A_187 : i32
      %lt3A = arith.constant 0 : i32
      %lt3A_189 = arith.cmpi slt, %rem3A_186, %lt3A : i32
      %lt3A_190 = arith.constant 0 : i32
      %lt3A_191 = arith.cmpi slt, %select_n3A_185, %lt3A_190 : i32
      %ne3A_192 = arith.xori %lt3A_189, %lt3A_191 : i1
      %and3A_193 = arith.andi %ne3A_192, %ne3A_188 : i1
      %add3A_194 = arith.addi %rem3A_186, %select_n3A_185 : i32
      %select_n3A_195 = arith.select %and3A_193, %add3A_194, %rem3A_186 : i32
      %eq3A_196 = vector.broadcast %select_n3A_195 : i32 to vector<1x128xi32>
      %eq3A_197 = arith.cmpi eq, %iota3A_93, %eq3A_196 : vector<1x128xi32>
      %get3A_198 = arith.index_cast %select_n3A_180 : i32 to index
      %get3A_199 = arith.constant 0 : index
      %get3A_200 = vector.load %arg5[%get3A_198, %get3A_199] : memref<160x128xf32, #tpu.memory_space<vmem>>, vector<1x128xf32>
      %jit3A_201 = arith.constant 0.000000e+00 : f32
      %broadcast_in_dim3A_202 = vector.broadcast %jit3A_201 : f32 to vector<1x128xf32>
      %select_n3A_203 = arith.select %eq3A_197, %get3A_200, %broadcast_in_dim3A_202 : vector<1x128xi1>, vector<1x128xf32>
      %reduce_max3A = vector.shape_cast %select_n3A_203 : vector<1x128xf32> to vector<1x1x128xf32>
      %reduce_max3A_204 = arith.constant dense<0xFF800000> : vector<1xf32>
      %reduce_max3A_205 = vector.multi_reduction <maximumf>, %reduce_max3A, %reduce_max3A_204 [1, 2] : vector<1x1x128xf32> to vector<1xf32>
      %reduce_max3A_206 = vector.shape_cast %reduce_max3A_205 : vector<1xf32> to vector<1x1x1xf32>
      %reduce_max3A_207 = vector.extract %reduce_max3A_206[0, 0, 0] : f32 from vector<1x1x1xf32>
      %eq3A_208 = arith.constant 0.000000e+00 : f32
      %eq3A_209 = arith.cmpf oeq, %reduce_max3A_207, %eq3A_208 : f32
      %convert_element_type3A_210 = arith.extui %eq3A_209 : i1 to i32
      %cond3A = arith.constant 0 : i32
      %cond3A_211 = arith.cmpi ne, %convert_element_type3A_210, %cond3A : i32
      scf.if %cond3A_211 {
        %get3A_212 = arith.index_cast %select_n3A_180 : i32 to index
        %get3A_213 = arith.constant 0 : index
        %get3A_214 = vector.load %arg11[%get3A_212, %get3A_213] : memref<160x128xf32, #tpu.memory_space<vmem>>, vector<1x128xf32>
        %jit3A_215 = arith.constant -3.000000e+38 : f32
        %broadcast_in_dim3A_216 = vector.broadcast %jit3A_215 : f32 to vector<1x128xf32>
        %select_n3A_217 = arith.select %eq3A_197, %get3A_214, %broadcast_in_dim3A_216 : vector<1x128xi1>, vector<1x128xf32>
        %reduce_max3A_218 = vector.shape_cast %select_n3A_217 : vector<1x128xf32> to vector<1x1x128xf32>
        %reduce_max3A_219 = arith.constant dense<0xFF800000> : vector<1xf32>
        %reduce_max3A_220 = vector.multi_reduction <maximumf>, %reduce_max3A_218, %reduce_max3A_219 [1, 2] : vector<1x1x128xf32> to vector<1xf32>
        %reduce_max3A_221 = vector.shape_cast %reduce_max3A_220 : vector<1xf32> to vector<1x1x1xf32>
        %reduce_max3A_222 = vector.extract %reduce_max3A_221[0, 0, 0] : f32 from vector<1x1x1xf32>
        %get3A_223 = arith.index_cast %select_n3A_180 : i32 to index
        %get3A_224 = arith.constant 0 : index
        %get3A_225 = vector.load %arg12[%get3A_223, %get3A_224] : memref<160x128xf32, #tpu.memory_space<vmem>>, vector<1x128xf32>
        %jit3A_226 = arith.constant -3.000000e+38 : f32
        %broadcast_in_dim3A_227 = vector.broadcast %jit3A_226 : f32 to vector<1x128xf32>
        %select_n3A_228 = arith.select %eq3A_197, %get3A_225, %broadcast_in_dim3A_227 : vector<1x128xi1>, vector<1x128xf32>
        %reduce_max3A_229 = vector.shape_cast %select_n3A_228 : vector<1x128xf32> to vector<1x1x128xf32>
        %reduce_max3A_230 = arith.constant dense<0xFF800000> : vector<1xf32>
        %reduce_max3A_231 = vector.multi_reduction <maximumf>, %reduce_max3A_229, %reduce_max3A_230 [1, 2] : vector<1x1x128xf32> to vector<1xf32>
        %reduce_max3A_232 = vector.shape_cast %reduce_max3A_231 : vector<1xf32> to vector<1x1x1xf32>
        %reduce_max3A_233 = vector.extract %reduce_max3A_232[0, 0, 0] : f32 from vector<1x1x1xf32>
        %get3A_234 = arith.index_cast %select_n3A_180 : i32 to index
        %get3A_235 = arith.constant 0 : index
        %get3A_236 = vector.load %arg13[%get3A_234, %get3A_235] : memref<160x128xf32, #tpu.memory_space<vmem>>, vector<1x128xf32>
        %jit3A_237 = arith.constant -3.000000e+38 : f32
        %broadcast_in_dim3A_238 = vector.broadcast %jit3A_237 : f32 to vector<1x128xf32>
        %select_n3A_239 = arith.select %eq3A_197, %get3A_236, %broadcast_in_dim3A_238 : vector<1x128xi1>, vector<1x128xf32>
        %reduce_max3A_240 = vector.shape_cast %select_n3A_239 : vector<1x128xf32> to vector<1x1x128xf32>
        %reduce_max3A_241 = arith.constant dense<0xFF800000> : vector<1xf32>
        %reduce_max3A_242 = vector.multi_reduction <maximumf>, %reduce_max3A_240, %reduce_max3A_241 [1, 2] : vector<1x1x128xf32> to vector<1xf32>
        %reduce_max3A_243 = vector.shape_cast %reduce_max3A_242 : vector<1xf32> to vector<1x1x1xf32>
        %reduce_max3A_244 = vector.extract %reduce_max3A_243[0, 0, 0] : f32 from vector<1x1x1xf32>
        %get3A_245 = arith.index_cast %select_n3A_180 : i32 to index
        %get3A_246 = arith.constant 0 : index
        %get3A_247 = vector.load %arg14[%get3A_245, %get3A_246] : memref<160x128xf32, #tpu.memory_space<vmem>>, vector<1x128xf32>
        %jit3A_248 = arith.constant -3.000000e+38 : f32
        %broadcast_in_dim3A_249 = vector.broadcast %jit3A_248 : f32 to vector<1x128xf32>
        %select_n3A_250 = arith.select %eq3A_197, %get3A_247, %broadcast_in_dim3A_249 : vector<1x128xi1>, vector<1x128xf32>
        %reduce_max3A_251 = vector.shape_cast %select_n3A_250 : vector<1x128xf32> to vector<1x1x128xf32>
        %reduce_max3A_252 = arith.constant dense<0xFF800000> : vector<1xf32>
        %reduce_max3A_253 = vector.multi_reduction <maximumf>, %reduce_max3A_251, %reduce_max3A_252 [1, 2] : vector<1x1x128xf32> to vector<1xf32>
        %reduce_max3A_254 = vector.shape_cast %reduce_max3A_253 : vector<1xf32> to vector<1x1x1xf32>
        %reduce_max3A_255 = vector.extract %reduce_max3A_254[0, 0, 0] : f32 from vector<1x1x1xf32>
        %get3A_256 = arith.index_cast %select_n3A_180 : i32 to index
        %get3A_257 = arith.constant 0 : index
        %get3A_258 = vector.load %arg15[%get3A_256, %get3A_257] : memref<160x128xf32, #tpu.memory_space<vmem>>, vector<1x128xf32>
        %jit3A_259 = arith.constant -3.000000e+38 : f32
        %broadcast_in_dim3A_260 = vector.broadcast %jit3A_259 : f32 to vector<1x128xf32>
        %select_n3A_261 = arith.select %eq3A_197, %get3A_258, %broadcast_in_dim3A_260 : vector<1x128xi1>, vector<1x128xf32>
        %reduce_max3A_262 = vector.shape_cast %select_n3A_261 : vector<1x128xf32> to vector<1x1x128xf32>
        %reduce_max3A_263 = arith.constant dense<0xFF800000> : vector<1xf32>
        %reduce_max3A_264 = vector.multi_reduction <maximumf>, %reduce_max3A_262, %reduce_max3A_263 [1, 2] : vector<1x1x128xf32> to vector<1xf32>
        %reduce_max3A_265 = vector.shape_cast %reduce_max3A_264 : vector<1xf32> to vector<1x1x1xf32>
        %reduce_max3A_266 = vector.extract %reduce_max3A_265[0, 0, 0] : f32 from vector<1x1x1xf32>
        %jit3A_267 = arith.constant 8 : i32
        %div3A_268 = arith.divsi %select_n3A_180, %jit3A_267 : i32
        %sign3A_269 = arith.constant 0 : i32
        %sign3A_270 = arith.cmpi sgt, %select_n3A_180, %sign3A_269 : i32
        %sign3A_271 = arith.extui %sign3A_270 : i1 to i32
        %sign3A_272 = arith.constant 0 : i32
        %sign3A_273 = arith.cmpi slt, %select_n3A_180, %sign3A_272 : i32
        %sign3A_274 = arith.extui %sign3A_273 : i1 to i32
        %sign3A_275 = arith.subi %sign3A_271, %sign3A_274 : i32
        %sign3A_276 = arith.constant 0 : i32
        %sign3A_277 = arith.cmpi sgt, %jit3A_267, %sign3A_276 : i32
        %sign3A_278 = arith.extui %sign3A_277 : i1 to i32
        %sign3A_279 = arith.constant 0 : i32
        %sign3A_280 = arith.cmpi slt, %jit3A_267, %sign3A_279 : i32
        %sign3A_281 = arith.extui %sign3A_280 : i1 to i32
        %sign3A_282 = arith.subi %sign3A_278, %sign3A_281 : i32
        %ne3A_283 = arith.cmpi ne, %sign3A_275, %sign3A_282 : i32
        %rem3A_284 = arith.remsi %select_n3A_180, %jit3A_267 : i32
        %ne3A_285 = arith.constant 0 : i32
        %ne3A_286 = arith.cmpi ne, %rem3A_284, %ne3A_285 : i32
        %and3A_287 = arith.andi %ne3A_283, %ne3A_286 : i1
        %sub3A_288 = arith.constant 1 : i32
        %sub3A_289 = arith.subi %div3A_268, %sub3A_288 : i32
        %select_n3A_290 = arith.select %and3A_287, %sub3A_289, %div3A_268 : i32
        %while3A_291 = arith.constant 0 : i32
        %while3A_292 = arith.subi %select_n3A, %select_n3A_290 : i32
        %while3A_293 = arith.addi %select_n3A_290, %while3A_292 : i32
        %while3A_294 = arith.constant 1 : i32
        %while3A_295 = arith.divsi %while3A_292, %while3A_294 : i32
        %while3A_296 = arith.muli %while3A_295, %while3A_294 : i32
        %while3A_297 = arith.addi %select_n3A_290, %while3A_296 : i32
        %while3A_298 = arith.constant 1 : i32
        scf.for %while3A_300 = %select_n3A_290 to %while3A_297 step %while3A_298  : i32 {
          %mul3A_301 = arith.constant 8 : i32
          %mul3A_302 = arith.muli %while3A_300, %mul3A_301 : i32
          %get3A_303 = arith.index_cast %mul3A_302 : i32 to index
          %get3A_304 = arith.constant 0 : index
          %get3A_305 = vector.load %arg11[%get3A_303, %get3A_304] : memref<160x128xf32, #tpu.memory_space<vmem>>, vector<8x128xf32>
          %max3A = vector.broadcast %reduce_max3A_222 : f32 to vector<8x128xf32>
          %max3A_306 = arith.maximumf %get3A_305, %max3A : vector<8x128xf32>
          %get3A_307 = arith.index_cast %mul3A_302 : i32 to index
          %get3A_308 = arith.constant 0 : index
          %get3A_309 = vector.load %arg12[%get3A_307, %get3A_308] : memref<160x128xf32, #tpu.memory_space<vmem>>, vector<8x128xf32>
          %max3A_310 = vector.broadcast %reduce_max3A_233 : f32 to vector<8x128xf32>
          %max3A_311 = arith.maximumf %get3A_309, %max3A_310 : vector<8x128xf32>
          %get3A_312 = arith.index_cast %mul3A_302 : i32 to index
          %get3A_313 = arith.constant 0 : index
          %get3A_314 = vector.load %arg13[%get3A_312, %get3A_313] : memref<160x128xf32, #tpu.memory_space<vmem>>, vector<8x128xf32>
          %min3A = vector.broadcast %reduce_max3A_244 : f32 to vector<8x128xf32>
          %min3A_315 = arith.minimumf %get3A_314, %min3A : vector<8x128xf32>
          %get3A_316 = arith.index_cast %mul3A_302 : i32 to index
          %get3A_317 = arith.constant 0 : index
          %get3A_318 = vector.load %arg14[%get3A_316, %get3A_317] : memref<160x128xf32, #tpu.memory_space<vmem>>, vector<8x128xf32>
          %min3A_319 = vector.broadcast %reduce_max3A_255 : f32 to vector<8x128xf32>
          %min3A_320 = arith.minimumf %get3A_318, %min3A_319 : vector<8x128xf32>
          %sub3A_321 = arith.subf %min3A_315, %max3A_306 : vector<8x128xf32>
          %max3A_322 = arith.constant 0.000000e+00 : f32
          %max3A_323 = vector.broadcast %max3A_322 : f32 to vector<8x128xf32>
          %max3A_324 = arith.maximumf %sub3A_321, %max3A_323 : vector<8x128xf32>
          %sub3A_325 = arith.subf %min3A_320, %max3A_311 : vector<8x128xf32>
          %max3A_326 = arith.constant 0.000000e+00 : f32
          %max3A_327 = vector.broadcast %max3A_326 : f32 to vector<8x128xf32>
          %max3A_328 = arith.maximumf %sub3A_325, %max3A_327 : vector<8x128xf32>
          %mul3A_329 = arith.mulf %max3A_324, %max3A_328 : vector<8x128xf32>
          %get3A_330 = arith.index_cast %mul3A_302 : i32 to index
          %get3A_331 = arith.constant 0 : index
          %get3A_332 = vector.load %arg15[%get3A_330, %get3A_331] : memref<160x128xf32, #tpu.memory_space<vmem>>, vector<8x128xf32>
          %add3A_333 = vector.broadcast %reduce_max3A_266 : f32 to vector<8x128xf32>
          %add3A_334 = arith.addf %add3A_333, %get3A_332 : vector<8x128xf32>
          %sub3A_335 = arith.subf %add3A_334, %mul3A_329 : vector<8x128xf32>
          %div3A_336 = arith.divf %mul3A_329, %sub3A_335 : vector<8x128xf32>
          %gt3A = arith.constant 5.000000e-01 : f32
          %gt3A_337 = vector.broadcast %gt3A : f32 to vector<8x128xf32>
          %gt3A_338 = arith.cmpf ogt, %div3A_336, %gt3A_337 : vector<8x128xf32>
          %get3A_339 = arith.index_cast %mul3A_302 : i32 to index
          %get3A_340 = arith.constant 0 : index
          %get3A_341 = vector.load %arg16[%get3A_339, %get3A_340] : memref<160x128xi32, #tpu.memory_space<vmem>>, vector<8x128xi32>
          %gt3A_342 = vector.broadcast %while3A_156 : i32 to vector<8x128xi32>
          %gt3A_343 = arith.cmpi sgt, %get3A_341, %gt3A_342 : vector<8x128xi32>
          %and3A_344 = arith.andi %gt3A_338, %gt3A_343 : vector<8x128xi1>
          %get3A_345 = arith.index_cast %mul3A_302 : i32 to index
          %get3A_346 = arith.constant 0 : index
          %get3A_347 = vector.load %arg5[%get3A_345, %get3A_346] : memref<160x128xf32, #tpu.memory_space<vmem>>, vector<8x128xf32>
          %jit3A_348 = arith.constant 1.000000e+00 : f32
          %broadcast_in_dim3A_349 = vector.broadcast %jit3A_348 : f32 to vector<8x128xf32>
          %select_n3A_350 = arith.select %and3A_344, %broadcast_in_dim3A_349, %get3A_347 : vector<8x128xi1>, vector<8x128xf32>
          %swap3A_351 = arith.index_cast %mul3A_302 : i32 to index
          %swap3A_352 = arith.constant 0 : index
          %swap3A_353 = vector.load %arg5[%swap3A_351, %swap3A_352] : memref<160x128xf32, #tpu.memory_space<vmem>>, vector<8x128xf32>
          tpu.vector_store %arg5[%swap3A_351, %swap3A_352], %select_n3A_350 {strides = array<i32>} : memref<160x128xf32, #tpu.memory_space<vmem>>, vector<8x128xf32>,
        }
        %while3A_299 = arith.constant 1 : i32
        scf.for %while3A_300 = %while3A_297 to %while3A_293 step %while3A_299  : i32 {
          %mul3A_301 = arith.constant 8 : i32
          %mul3A_302 = arith.muli %while3A_300, %mul3A_301 : i32
          %get3A_303 = arith.index_cast %mul3A_302 : i32 to index
          %get3A_304 = arith.constant 0 : index
          %get3A_305 = vector.load %arg11[%get3A_303, %get3A_304] : memref<160x128xf32, #tpu.memory_space<vmem>>, vector<8x128xf32>
          %max3A = vector.broadcast %reduce_max3A_222 : f32 to vector<8x128xf32>
          %max3A_306 = arith.maximumf %get3A_305, %max3A : vector<8x128xf32>
          %get3A_307 = arith.index_cast %mul3A_302 : i32 to index
          %get3A_308 = arith.constant 0 : index
          %get3A_309 = vector.load %arg12[%get3A_307, %get3A_308] : memref<160x128xf32, #tpu.memory_space<vmem>>, vector<8x128xf32>
          %max3A_310 = vector.broadcast %reduce_max3A_233 : f32 to vector<8x128xf32>
          %max3A_311 = arith.maximumf %get3A_309, %max3A_310 : vector<8x128xf32>
          %get3A_312 = arith.index_cast %mul3A_302 : i32 to index
          %get3A_313 = arith.constant 0 : index
          %get3A_314 = vector.load %arg13[%get3A_312, %get3A_313] : memref<160x128xf32, #tpu.memory_space<vmem>>, vector<8x128xf32>
          %min3A = vector.broadcast %reduce_max3A_244 : f32 to vector<8x128xf32>
          %min3A_315 = arith.minimumf %get3A_314, %min3A : vector<8x128xf32>
          %get3A_316 = arith.index_cast %mul3A_302 : i32 to index
          %get3A_317 = arith.constant 0 : index
          %get3A_318 = vector.load %arg14[%get3A_316, %get3A_317] : memref<160x128xf32, #tpu.memory_space<vmem>>, vector<8x128xf32>
          %min3A_319 = vector.broadcast %reduce_max3A_255 : f32 to vector<8x128xf32>
          %min3A_320 = arith.minimumf %get3A_318, %min3A_319 : vector<8x128xf32>
          %sub3A_321 = arith.subf %min3A_315, %max3A_306 : vector<8x128xf32>
          %max3A_322 = arith.constant 0.000000e+00 : f32
          %max3A_323 = vector.broadcast %max3A_322 : f32 to vector<8x128xf32>
          %max3A_324 = arith.maximumf %sub3A_321, %max3A_323 : vector<8x128xf32>
          %sub3A_325 = arith.subf %min3A_320, %max3A_311 : vector<8x128xf32>
          %max3A_326 = arith.constant 0.000000e+00 : f32
          %max3A_327 = vector.broadcast %max3A_326 : f32 to vector<8x128xf32>
          %max3A_328 = arith.maximumf %sub3A_325, %max3A_327 : vector<8x128xf32>
          %mul3A_329 = arith.mulf %max3A_324, %max3A_328 : vector<8x128xf32>
          %get3A_330 = arith.index_cast %mul3A_302 : i32 to index
          %get3A_331 = arith.constant 0 : index
          %get3A_332 = vector.load %arg15[%get3A_330, %get3A_331] : memref<160x128xf32, #tpu.memory_space<vmem>>, vector<8x128xf32>
          %add3A_333 = vector.broadcast %reduce_max3A_266 : f32 to vector<8x128xf32>
          %add3A_334 = arith.addf %add3A_333, %get3A_332 : vector<8x128xf32>
          %sub3A_335 = arith.subf %add3A_334, %mul3A_329 : vector<8x128xf32>
          %div3A_336 = arith.divf %mul3A_329, %sub3A_335 : vector<8x128xf32>
          %gt3A = arith.constant 5.000000e-01 : f32
          %gt3A_337 = vector.broadcast %gt3A : f32 to vector<8x128xf32>
          %gt3A_338 = arith.cmpf ogt, %div3A_336, %gt3A_337 : vector<8x128xf32>
          %get3A_339 = arith.index_cast %mul3A_302 : i32 to index
          %get3A_340 = arith.constant 0 : index
          %get3A_341 = vector.load %arg16[%get3A_339, %get3A_340] : memref<160x128xi32, #tpu.memory_space<vmem>>, vector<8x128xi32>
          %gt3A_342 = vector.broadcast %while3A_156 : i32 to vector<8x128xi32>
          %gt3A_343 = arith.cmpi sgt, %get3A_341, %gt3A_342 : vector<8x128xi32>
          %and3A_344 = arith.andi %gt3A_338, %gt3A_343 : vector<8x128xi1>
          %get3A_345 = arith.index_cast %mul3A_302 : i32 to index
          %get3A_346 = arith.constant 0 : index
          %get3A_347 = vector.load %arg5[%get3A_345, %get3A_346] : memref<160x128xf32, #tpu.memory_space<vmem>>, vector<8x128xf32>
          %jit3A_348 = arith.constant 1.000000e+00 : f32
          %broadcast_in_dim3A_349 = vector.broadcast %jit3A_348 : f32 to vector<8x128xf32>
          %select_n3A_350 = arith.select %and3A_344, %broadcast_in_dim3A_349, %get3A_347 : vector<8x128xi1>, vector<8x128xf32>
          %swap3A_351 = arith.index_cast %mul3A_302 : i32 to index
          %swap3A_352 = arith.constant 0 : index
          %swap3A_353 = vector.load %arg5[%swap3A_351, %swap3A_352] : memref<160x128xf32, #tpu.memory_space<vmem>>, vector<8x128xf32>
          tpu.vector_store %arg5[%swap3A_351, %swap3A_352], %select_n3A_350 {strides = array<i32>} : memref<160x128xf32, #tpu.memory_space<vmem>>, vector<8x128xf32>,
        }
      } else {
      }
    }
    %get3A_103 = arith.constant 0 : index
    %get3A_104 = arith.constant 0 : index
    %get3A_105 = vector.load %arg5[%get3A_103, %get3A_104] : memref<160x128xf32, #tpu.memory_space<vmem>>, vector<160x128xf32>
    %eq3A = arith.constant 0.000000e+00 : f32
    %eq3A_106 = vector.broadcast %eq3A : f32 to vector<160x128xf32>
    %eq3A_107 = arith.cmpf oeq, %get3A_105, %eq3A_106 : vector<160x128xf32>
    %convert_element_type3A_108 = arith.extui %eq3A_107 : vector<160x128xi1> to vector<160x128xi32>
    %convert_element_type3A_109 = arith.sitofp %convert_element_type3A_108 : vector<160x128xi32> to vector<160x128xf32>
    %swap3A_110 = arith.constant 0 : index
    %swap3A_111 = arith.constant 0 : index
    %swap3A_112 = vector.load %arg5[%swap3A_110, %swap3A_111] : memref<160x128xf32, #tpu.memory_space<vmem>>, vector<160x128xf32>
    tpu.vector_store %arg5[%swap3A_110, %swap3A_111], %convert_element_type3A_109 {strides = array<i32>} : memref<160x128xf32, #tpu.memory_space<vmem>>, vector<160x128xf32>,
    %and3A_113 = arith.andi %eq3A_107, %ge3A_68 : vector<160x128xi1>
    %get3A_114 = arith.constant 0 : index
    %get3A_115 = arith.constant 0 : index
    %get3A_116 = vector.load %arg11[%get3A_114, %get3A_115] : memref<160x128xf32, #tpu.memory_space<vmem>>, vector<160x128xf32>
    %jit3A_117 = arith.constant 0.000000e+00 : f32
    %broadcast_in_dim3A_118 = vector.broadcast %jit3A_117 : f32 to vector<160x128xf32>
    %select_n3A_119 = arith.select %and3A_113, %get3A_116, %broadcast_in_dim3A_118 : vector<160x128xi1>, vector<160x128xf32>
    %swap3A_120 = arith.constant 0 : index
    %swap3A_121 = arith.constant 0 : index
    %swap3A_122 = vector.load %arg6[%swap3A_120, %swap3A_121] : memref<160x128xf32, #tpu.memory_space<vmem>>, vector<160x128xf32>
    tpu.vector_store %arg6[%swap3A_120, %swap3A_121], %select_n3A_119 {strides = array<i32>} : memref<160x128xf32, #tpu.memory_space<vmem>>, vector<160x128xf32>,
    %get3A_123 = arith.constant 0 : index
    %get3A_124 = arith.constant 0 : index
    %get3A_125 = vector.load %arg12[%get3A_123, %get3A_124] : memref<160x128xf32, #tpu.memory_space<vmem>>, vector<160x128xf32>
    %jit3A_126 = arith.constant 0.000000e+00 : f32
    %broadcast_in_dim3A_127 = vector.broadcast %jit3A_126 : f32 to vector<160x128xf32>
    %select_n3A_128 = arith.select %and3A_113, %get3A_125, %broadcast_in_dim3A_127 : vector<160x128xi1>, vector<160x128xf32>
    %swap3A_129 = arith.constant 0 : index
    %swap3A_130 = arith.constant 0 : index
    %swap3A_131 = vector.load %arg7[%swap3A_129, %swap3A_130] : memref<160x128xf32, #tpu.memory_space<vmem>>, vector<160x128xf32>
    tpu.vector_store %arg7[%swap3A_129, %swap3A_130], %select_n3A_128 {strides = array<i32>} : memref<160x128xf32, #tpu.memory_space<vmem>>, vector<160x128xf32>,
    %get3A_132 = arith.constant 0 : index
    %get3A_133 = arith.constant 0 : index
    %get3A_134 = vector.load %arg13[%get3A_132, %get3A_133] : memref<160x128xf32, #tpu.memory_space<vmem>>, vector<160x128xf32>
    %jit3A_135 = arith.constant 0.000000e+00 : f32
    %broadcast_in_dim3A_136 = vector.broadcast %jit3A_135 : f32 to vector<160x128xf32>
    %select_n3A_137 = arith.select %and3A_113, %get3A_134, %broadcast_in_dim3A_136 : vector<160x128xi1>, vector<160x128xf32>
    %swap3A_138 = arith.constant 0 : index
    %swap3A_139 = arith.constant 0 : index
    %swap3A_140 = vector.load %arg8[%swap3A_138, %swap3A_139] : memref<160x128xf32, #tpu.memory_space<vmem>>, vector<160x128xf32>
    tpu.vector_store %arg8[%swap3A_138, %swap3A_139], %select_n3A_137 {strides = array<i32>} : memref<160x128xf32, #tpu.memory_space<vmem>>, vector<160x128xf32>,
    %get3A_141 = arith.constant 0 : index
    %get3A_142 = arith.constant 0 : index
    %get3A_143 = vector.load %arg14[%get3A_141, %get3A_142] : memref<160x128xf32, #tpu.memory_space<vmem>>, vector<160x128xf32>
    %jit3A_144 = arith.constant 0.000000e+00 : f32
    %broadcast_in_dim3A_145 = vector.broadcast %jit3A_144 : f32 to vector<160x128xf32>
    %select_n3A_146 = arith.select %and3A_113, %get3A_143, %broadcast_in_dim3A_145 : vector<160x128xi1>, vector<160x128xf32>
    %swap3A_147 = arith.constant 0 : index
    %swap3A_148 = arith.constant 0 : index
    %swap3A_149 = vector.load %arg9[%swap3A_147, %swap3A_148] : memref<160x128xf32, #tpu.memory_space<vmem>>, vector<160x128xf32>
    tpu.vector_store %arg9[%swap3A_147, %swap3A_148], %select_n3A_146 {strides = array<i32>} : memref<160x128xf32, #tpu.memory_space<vmem>>, vector<160x128xf32>,
    %jit3A_150 = arith.constant 0.000000e+00 : f32
    %broadcast_in_dim3A_151 = vector.broadcast %jit3A_150 : f32 to vector<160x128xf32>
    %select_n3A_152 = arith.select %and3A_113, %get3A_66, %broadcast_in_dim3A_151 : vector<160x128xi1>, vector<160x128xf32>
    %swap3A_153 = arith.constant 0 : index
    %swap3A_154 = arith.constant 0 : index
    %swap3A_155 = vector.load %arg10[%swap3A_153, %swap3A_154] : memref<160x128xf32, #tpu.memory_space<vmem>>, vector<160x128xf32>
    tpu.vector_store %arg10[%swap3A_153, %swap3A_154], %select_n3A_152 {strides = array<i32>} : memref<160x128xf32, #tpu.memory_space<vmem>>, vector<160x128xf32>,
    return
  }
}

</mosaic_0001>

<sc_bundles>
// kernel: kernel.5.cloned.1.call-start
scs
__scs_entry_jumppad:
0x0: {  	(pc) =	sbr.rel $0x88, $3  }
0x1: {  	(tag) =	ssettag $0x0;
	lr =	simm.s32 $0x1  }
0x2: {  	[smem:$0x3FA0] =	sst lr;
	_ =	strace $0xD0000000  }
0x3: {  	_ = 	snop  }
0x4: {  	_ = 	snop  }
0x5: {  	_ = 	snop  }
0x6: {  	_ = 	snop  }
0x7: {  	_ = 	snop  }
__scs_overlays_trampoline_lowered:
0x8: {  	[smem:$0x3FAF] =	sst s0  }
0x9: {  	[smem:$0x3FB0] =	sst s1  }
0xa: {  	[smem:$0x3FB1] =	sst s2  }
0xb: {  	[smem:$0x3FB2] =	sst s3  }
0xc: {  	[smem:$0x3FB3] =	sst s4  }
0xd: {  	[smem:$0x3FB4] =	sst s5  }
0xe: {  	[smem:$0x3FB5] =	sst s6  }
0xf: {  	[smem:$0x3FB6] =	sst s7  }
0x10: {  	[smem:$0x3FB7] =	sst s8  }
0x11: {  	[smem:$0x3FB8] =	sst s9;
	s0 =	simm.s32 @!p0 $0x0  }
0x12: {  	s1 =	sld [smem:$0x3F9E];
	s0 =	simm.s32 @p0 $0x1  }
0x13: {  	[smem:$0x3FB9] =	sst s0;
	s0 =	simm.s32 @!p1 $0x0  }
0x14: {  	s2 =	sld [smem:$0x3F9D];
	s0 =	simm.s32 @p1 $0x1  }
0x15: {  	[smem:$0x3FBA] =	sst s0;
	s0 =	simm.s32 @!p2 $0x0  }
0x16: {  	s3 =	sld [smem:$0x3FDB];
	s0 =	simm.s32 @p2 $0x1  }
0x17: {  	s4 =	simm.s32 $0x1BF5;
	[smem:$0x3FBC] =	sst s0  }
0x18: {  	s0 =	sld [smem:$0x3F9F];
	_ =	swait.ge [sflag:s4], $0x0  }
0x19: {  	s7 =	sld [smem:$0x3FA0]  }
0x1a: {  	s8 =	sadd.s32 $0xFFFFE003, lr  }
0x1b: {  	s9 =	sadd.s32 $0xFFFFFEF7, lr;
	s5 =	simm.s32 $0xFFFFFFFF;
	p2 =	slt.u32 s8, $0xFFFFF086  }
0x1c: {  	p1 =	slt.u32 s9, $0xF7A;
	s5 =	simm.s32 @!p2 $0x0  }
0x1d: {  	s5 =	simm.s32 @p1 $0x1;
	p0 =	seq.s32 s7, s2  }
0x1e: {  	s7 =	smul.u32 @!p0 $0xF7A, s2;
	p2 =	seq.s32 @!p0 s5, $0x0  }
0x1f: {  	s9 =	smul.u32 $0xF7A, s1;
	s8 =	simm.s32 @!p0 $0x1BF5;
	p2 =	por !p2, p0  }
0x20: {  	[sflag:s8] =	ssyncset.s32 @!p0 $0xFFFFF086;
	s6 =	sadd.s32 @!p0 s3, s7;
	s7 =	simm.s32 @!p0 $0x108  }
0x21: {  	s3 =	sadd.s32 s3, s9;
	s6 =	sadd.s32 @!p0 $0x88, s6;
	s7 =	simm.s32 @p2 $0x1082  }
0x22: {  	[simem:s7], [sflag:s8] =	dma.local @!p0 [hbm:s6], $0xF7A  }
0x23: {  	s9 =	sor.u32 $0xD0000000, s2;
	s6 =	simm.s32 $0x108;
	_ =	swait.ge @!p0 [sflag:s8], $0x0  }
0x24: {  	s3 =	sadd.s32 $0x88, s3;
	s6 =	simm.s32 @!p1 $0x1082;
	[sflag:s4] =	ssyncset.s32 $0xFFFFF086  }
0x25: {  	[simem:s6], [sflag:s4] =	dma.local [hbm:s3], $0xF7A  }
0x26: {  	[smem:$0x3FA0] =	sst s1;
	(tag) =	ssettag s2;
	_ =	strace s9  }
0x27: {  	s1 =	sld [smem:$0x3FB0]  }
0x28: {  	s2 =	sld [smem:$0x3FB1]  }
0x29: {  	s4 =	sld [smem:$0x3FB3]  }
0x2a: {  	p0 =	seq.s32 s5, $0x0;
	s5 =	sld [smem:$0x3FB4]  }
0x2b: {  	s6 =	sld [smem:$0x3FB5]  }
0x2c: {  	s7 =	sld [smem:$0x3FB6]  }
0x2d: {  	s3 =	simm.s32 $0x108;
	s8 =	sld [smem:$0x3FB7]  }
0x2e: {  	s3 =	simm.s32 @!p0 $0x1082;
	s9 =	sld [smem:$0x3FB8]  }
0x2f: {  	lr =	sadd.s32 s0, s3;
	s0 =	sld [smem:$0x3FAF]  }
0x30: {  	s3 =	sld [smem:$0x3FB2]  }
0x31: {  	[smem:$0x3FBB] =	sst s10  }
0x32: {  	s10 =	sld [smem:$0x3FB9];
	_ =	sdelay $0x3  }
0x33: {  	p0 =	seq.s32 s10, $0x1;
	s10 =	sld [smem:$0x3FBB];
	_ =	sdelay $0x3  }
0x34: {  	[smem:$0x3FBB] =	sst s10  }
0x35: {  	s10 =	sld [smem:$0x3FBA];
	_ =	sdelay $0x3  }
0x36: {  	p1 =	seq.s32 s10, $0x1;
	s10 =	sld [smem:$0x3FBB];
	_ =	sdelay $0x3  }
0x37: {  	[smem:$0x3FBB] =	sst s10  }
0x38: {  	s10 =	sld [smem:$0x3FBC]  }
0x39: {  	_ = 	snop;
	(pc) =	sbr.ind lr, $3  }
0x3a: {  	_ = 	snop  }
0x3b: {  	_ = 	snop  }
0x3c: {  	p2 =	seq.s32 s10, $0x1;
	s10 =	sld [smem:$0x3FBB]  }
0x3d: {  	_ =	shalt  }
0x3e: {  	_ =	shalt  }
0x3f: {  	_ =	shalt  }
0x40: {  	_ =	shalt  }
0x41: {  	_ =	shalt  }
0x42: {  	_ =	shalt  }
0x43: {  	_ =	shalt  }
0x44: {  	_ =	shalt  }
0x45: {  	_ =	shalt  }
0x46: {  	_ =	shalt  }
0x47: {  	_ =	shalt  }
0x48: {  	_ =	shalt  }
0x49: {  	_ =	shalt  }
0x4a: {  	_ =	shalt  }
0x4b: {  	_ =	shalt  }
0x4c: {  	_ =	shalt  }
0x4d: {  	_ =	shalt  }
0x4e: {  	_ =	shalt  }
0x4f: {  	_ =	shalt  }
0x50: {  	_ =	shalt  }
0x51: {  	_ =	shalt  }
0x52: {  	_ =	shalt  }
0x53: {  	_ =	shalt  }
0x54: {  	_ =	shalt  }
0x55: {  	_ =	shalt  }
0x56: {  	_ =	shalt  }
0x57: {  	_ =	shalt  }
0x58: {  	_ =	shalt  }
0x59: {  	_ =	shalt  }
0x5a: {  	_ =	shalt  }
0x5b: {  	_ =	shalt  }
0x5c: {  	_ =	shalt  }
0x5d: {  	_ =	shalt  }
0x5e: {  	_ =	shalt  }
0x5f: {  	_ =	shalt  }
0x60: {  	_ =	shalt  }
0x61: {  	_ =	shalt  }
0x62: {  	_ =	shalt  }
0x63: {  	_ =	shalt  }
0x64: {  	_ =	shalt  }
0x65: {  	_ =	shalt  }
0x66: {  	_ =	shalt  }
0x67: {  	_ =	shalt  }
0x68: {  	_ =	shalt  }
0x69: {  	_ =	shalt  }
0x6a: {  	_ =	shalt  }
0x6b: {  	_ =	shalt  }
0x6c: {  	_ =	shalt  }
0x6d: {  	_ =	shalt  }
0x6e: {  	_ =	shalt  }
0x6f: {  	_ =	shalt  }
0x70: {  	_ =	shalt  }
0x71: {  	_ =	shalt  }
0x72: {  	_ =	shalt  }
0x73: {  	_ =	shalt  }
0x74: {  	_ =	shalt  }
0x75: {  	_ =	shalt  }
0x76: {  	_ =	shalt  }
0x77: {  	_ =	shalt  }
0x78: {  	_ =	shalt  }
0x79: {  	_ =	shalt  }
0x7a: {  	_ =	shalt  }
0x7b: {  	_ =	shalt  }
0x7c: {  	_ =	shalt  }
0x7d: {  	_ =	shalt  }
0x7e: {  	_ =	shalt  }
0x7f: {  	_ =	shalt  }
0x80: {  	_ =	shalt  }
0x81: {  	_ =	shalt  }
0x82: {  	_ =	shalt  }
0x83: {  	_ =	shalt  }
0x84: {  	_ =	shalt  }
0x85: {  	_ =	shalt  }
0x86: {  	_ =	shalt  }
0x87: {  	_ =	shalt  }
.Lfunc_end0:
.L_simem_size_0:
called_computation_lowered:
.L_overlay_start_0:
0x88: {  	s2 =	sld [smem:$0x3FD9]  }
0x89: {  	s3 =	sld [smem:$0x3FFE];
	_ =	sdelay $0x1  }
0x8a: {  	s1 =	srdreg.scid  }
0x8b: {  	s0 =	sand.u32 $0x1, s1  }
0x8c: {  	s17 =	sshll.u32 s0, $0xA;
	s2 =	sadd.s32 s3, s2  }
0x8d: {  	s2 =	sadd.s32 s2, s17  }
0x8e: {  	[smem:$0x3FC7] =	sst s2  }
0x8f: {  	_ = 	snop  }
0x90: {  	s2 =	sld [smem:$0x3FD0];
	(tm) =	ssettm $0x1  }
0x91: {  	s18 =	sld [smem:$0x3FFB];
	_ =	sdelay $0x3  }
0x92: {  	_ =	strace s18  }
0x93: {  	s3 =	sld [smem:$0x3FFC];
	_ =	sdelay $0x3  }
0x94: {  	_ =	strace s3  }
0x95: {  	s3 =	sld [smem:$0x3FFD];
	_ =	sdelay $0x3  }
0x96: {  	_ =	strace s3  }
0x97: {  	_ =	strace $0x8FFFFFFF  }
0x98: {  	s19 =	sld [smem:$0x3FDB];
	_ =	sdelay $0x1  }
0x99: {  	s4 =	simm.s32 $_scs_section_size  }
0x9a: {  	s5 =	simm.s32 $_size__tile_overlayer_lowered;
	s6 =	simm.s32 $_tile_overlayer_lowered  }
0x9b: {  	s22 =	simm.s32 $0x1BFF;
	s21 =	sshll.u32 s6, $0x1;
	s3 =	sadd.s32 s4, s19  }
0x9c: {  	s7 =	simm.s32 $0x0;
	s20 =	sshll.u32 s5, $0x1;
	s5 =	sadd.s32 s21, s3  }
0x9d: {  	[timem:s7], [sflag:s22] =	dma.local [hbm:s5], s20  }
0x9e: {  	_ =	swait.ge [sflag:s22], s20  }
0x9f: {  	s4 =	ssub.s32 $0x0, s20;
	[sflag:s22] =	ssyncset.done $0x0  }
0xa0: {  	[sflag:s22] =	ssyncadd.s32 s4;
	_ =	sdelay $0x1  }
0xa1: {  	s23 =	simm.s32 $0x1B8B  }
0xa2: {  	_ =	swait.ge [sflag:s23], $0x1  }
0xa3: {  	[sflag:s23] =	ssyncset.done $0x0  }
0xa4: {  	s25 =	simm.s32 $0x1B8E;
	s24 =	sld [smem:$0x3FFE];
	[sflag:s23] =	ssyncadd.s32 $0xFFFFFFFF  }
0xa5: {  	s26 =	simm.s32 $execute0_lowered;
	[smem:$0x3FD2] =	sst s25  }
0xa6: {  	s5 =	sshll.u32 s26, $0x1;
	_ =	strace $0x80000046;
	[dreg:$0x1] =	wrdreg $0xFFFFFFFF  }
0xa7: {  	s28 =	simm.s32 $_size_execute0_lowered;
	s3 =	sadd.s32 s3, s5;
	[dreg:$0x0] =	wrdreg $0x0  }
0xa8: {  	s5 =	sshll.u32 s28, $0x1;
	[dreg:$0x2] =	wrdreg s3  }
0xa9: {  	[dreg:$0x3] =	wrdreg s5  }
0xaa: {  	[dreg:$0x4] =	wrdreg $0xC0  }
0xab: {  	_ =	task [dreg:s7], $0x5FFFF  }
0xac: {  	[dreg:$0x1] =	wrdreg $0xFFFFFFFF  }
0xad: {  	[dreg:$0x0] =	wrdreg $0x60  }
0xae: {  	[dreg:$0x2] =	wrdreg s24  }
0xaf: {  	[dreg:$0x3] =	wrdreg s2  }
0xb0: {  	[dreg:$0x4] =	wrdreg $0x9  }
0xb1: {  	_ =	task.clear_ibuf [dreg:s7], $0x5FFFF;
	_ =	strace $0x90000046  }
0xb2: {  	s29 =	simm.s32 $0x9;
	_ =	strace $0x80000048  }
0xb3: {  	_ =	swait.ge [sflag:s29], $0x1  }
0xb4: {  	[sflag:s29] =	ssyncadd.s32 $0xFFFFFFFF  }
0xb5: {  	_ =	strace $0x90000048  }
0xb6: {  	_ =	sfence  }
0xb7: {  	s30 =	sld [smem:$0x0];
	_ =	sdelay $0x2  }
0xb8: {  	s31 =	sshll.u32 s1, $0xD;
	s1 =	sshrl.u32 s1, $0x2  }
0xb9: {  	s3 =	sand.u32 $0x4000, s31;
	s1 =	sadd.s32 s1, s30  }
0xba: {  	s0 =	sor.u32 s3, s0;
	s1 =	sshll.u32 s1, $0x11  }
0xbb: {  	s0 =	sor.u32 s1, s0  }
0xbc: {  	s0 =	sadd.s32 $0x8F2B, s0  }
0xbd: {  	[sflag:s0] =	ssyncadd.remote.s32 $0x1  }
0xbe: {  	_ =	sfence.sel $0xFFFF  }
0xbf: {  	[dreg:$0x0] =	wrdreg $0xFFFFFFFF;
	(pc) =	sbr.abs _section_cstart, $3  }
0xc0: {  	[dreg:$0x1] =	wrdreg $0xFFFFFFFF  }
0xc1: {  	_ =	task.clear_ibuf [dreg:s7], $0x2FFFF;
	_ =	strace $0x9FFFFFFF  }
0xc2: {  	(tm) =	ssettm $0x7FFFFFFF  }
0xc3: {  	_ =	shalt  }
tec
execute0_lowered:
.L_overlay_start_1:
0x0: {  	(tag) =	ssettag $0x1  }
0x1: {  	s1 =	srdreg.scid;
	s0 =	stileid.u32  }
0x2: {  	s2 =	rddreg [dreg:$0x0];
	s16 =	sand.u32 $0x1, s1;
	s29 =	sshll.u32 s0, $0x1  }
0x3: {  	s4 =	rddreg [dreg:$0x1];
	s17 =	sor.u32 s16, s29  }
0x4: {  	s3 =	simm.s32 $0x0;
	s1 =	rddreg [dreg:$0x2];
	s5 =	smul.u32 $0x50, s17  }
0x5: {  	[smem:$0x7FF] =	sst s3  }
0x6: {  	_ =	strace $0x80000047;
	s5 =	sadd.s32 s4, s5;
	s4 =	simm.s32 $0x2  }
0x7: {  	[tilespmem:s3], [sflag:$0x2] =	stream.linear.gather [hbm4b:s5+s3], $0x280, $0x38;
	[tilespmem:$0x2A80] =	vst v63  }
0x8: {  	_ =	swait.ge [sflag:s4], $0x280  }
0x9: {  	[sflag:s4] =	ssyncset.done $0x0  }
0xa: {  	s6 =	simm.s32 $0x80;
	s7 =	simm.s32 $0x280;
	[sflag:s4] =	ssyncadd.s32 $0xFFFFFD80  }
0xb: {  	[tilespmem:s7], [sflag:$0x1] =	stream.indirect.gather [hbm4b:s2+s6], $0x10, s3, s6, $0xb8;
	[tilespmem:$0x2A80] =	vst v63  }
0xc: {  	s8 =	simm.s32 $0xA80  }
0xd: {  	[tilespmem:s8], [sflag:$0x1] =	stream.indirect.gather [hbm4b:s2+s6], $0x10, s6, s6, $0xb8;
	[tilespmem:$0x2A80] =	vst v63  }
0xe: {  	s9 =	simm.s32 $0x100;
	s10 =	simm.s32 $0x1280  }
0xf: {  	[tilespmem:s10], [sflag:$0x1] =	stream.indirect.gather [hbm4b:s2+s6], $0x10, s9, s6, $0xb8;
	[tilespmem:$0x2A80] =	vst v63  }
0x10: {  	s11 =	simm.s32 $0x180;
	s12 =	simm.s32 $0x1A80  }
0x11: {  	[tilespmem:s12], [sflag:$0x1] =	stream.indirect.gather [hbm4b:s2+s6], $0x10, s11, s6, $0xb8;
	[tilespmem:$0x2A80] =	vst v63  }
0x12: {  	s13 =	simm.s32 $0x200;
	s14 =	simm.s32 $0x2280;
	s15 =	simm.s32 $0x1  }
0x13: {  	[tilespmem:s14], [sflag:$0x1] =	stream.indirect.gather [hbm4b:s2+s6], $0x10, s13, s6, $0xb8;
	[tilespmem:$0x2A80] =	vst v63  }
0x14: {  	_ =	swait.ge [sflag:s15], $0x800  }
0x15: {  	[sflag:s15] =	ssyncset.done $0x0  }
0x16: {  	[sflag:s15] =	ssyncadd.s32 $0xFFFFF800  }
0x17: {  	_ =	swait.ge [sflag:s15], $0x800  }
0x18: {  	[sflag:s15] =	ssyncset.done $0x0  }
0x19: {  	[sflag:s15] =	ssyncadd.s32 $0xFFFFF800  }
0x1a: {  	_ =	swait.ge [sflag:s15], $0x800  }
0x1b: {  	[sflag:s15] =	ssyncset.done $0x0  }
0x1c: {  	s16 =	ssub.s32 $0x2, s16;
	[sflag:s15] =	ssyncadd.s32 $0xFFFFF800  }
0x1d: {  	s18 =	sshrl.u32 s16, $0x1;
	_ =	swait.ge [sflag:s15], $0x800  }
0x1e: {  	s18 =	ssub.s32 s16, s18;
	[sflag:s15] =	ssyncset.done $0x0  }
0x1f: {  	s17 =	smul.u32 $0x500, s17;
	s31 =	smax.u32 s18, $0x1;
	[sflag:s15] =	ssyncadd.s32 $0xFFFFF800  }
0x20: {  	p0 =	sne.s32 s31, $0x1;
	_ =	swait.ge [sflag:s15], $0x800  }
.Ltmp0:
0x21: {  	s30 =	sadd.s32 s17, s2;
	[sflag:s15] =	ssyncset.done $0x0;
	(pc) =	sbr.rel @!p0 .LBB2_2-.Ltmp0, $4  }
0x22: {  	s16 =	sadd.s32 $0xA000, s30;
	[sflag:s15] =	ssyncadd.s32 $0xFFFFF800  }
0x23: {  	[hbm4b:s16+s3] =	stream.linear.scatter [tilespmem:s7], [sflag:$0x2], $0x2800, $0x38;
	[tilespmem:$0x2A80] =	vst v63  }
0x24: {  	_ =	swait.ge [sflag:s4], $0x2800  }
0x25: {  	s17 =	sadd.s32 $0xFFFFFFFF, s31;
	[sflag:s4] =	ssyncset.done $0x0  }
.LBB2_1:
0x26: {  	p0 =	sne.s32 s17, $0x1;
	s17 =	sadd.s32 $0xFFFFFFFF, s17;
	[sflag:s4] =	ssyncadd.s32 $0xFFFFD800  }
0x27: {  	[tilespmem:s3], [sflag:$0x2] =	stream.linear.gather [hbm4b:s5+s3], $0x280, $0x38;
	[tilespmem:$0x2A80] =	vst v63  }
0x28: {  	_ =	swait.ge [sflag:s4], $0x280  }
0x29: {  	[sflag:s4] =	ssyncset.done $0x0  }
0x2a: {  	[sflag:s4] =	ssyncadd.s32 $0xFFFFFD80  }
0x2b: {  	[tilespmem:s7], [sflag:$0x1] =	stream.indirect.gather [hbm4b:s2+s6], $0x10, s3, s6, $0xb8;
	[tilespmem:$0x2A80] =	vst v63  }
0x2c: {  	_ = 	snop  }
0x2d: {  	[tilespmem:s8], [sflag:$0x1] =	stream.indirect.gather [hbm4b:s2+s6], $0x10, s6, s6, $0xb8;
	[tilespmem:$0x2A80] =	vst v63  }
0x2e: {  	_ = 	snop  }
0x2f: {  	[tilespmem:s10], [sflag:$0x1] =	stream.indirect.gather [hbm4b:s2+s6], $0x10, s9, s6, $0xb8;
	[tilespmem:$0x2A80] =	vst v63  }
0x30: {  	_ = 	snop  }
0x31: {  	[tilespmem:s12], [sflag:$0x1] =	stream.indirect.gather [hbm4b:s2+s6], $0x10, s11, s6, $0xb8;
	[tilespmem:$0x2A80] =	vst v63  }
0x32: {  	_ = 	snop  }
0x33: {  	[tilespmem:s14], [sflag:$0x1] =	stream.indirect.gather [hbm4b:s2+s6], $0x10, s13, s6, $0xb8;
	[tilespmem:$0x2A80] =	vst v63  }
0x34: {  	_ =	swait.ge [sflag:s15], $0x800  }
0x35: {  	[sflag:s15] =	ssyncset.done $0x0  }
0x36: {  	[sflag:s15] =	ssyncadd.s32 $0xFFFFF800  }
0x37: {  	_ =	swait.ge [sflag:s15], $0x800  }
0x38: {  	[sflag:s15] =	ssyncset.done $0x0  }
0x39: {  	[sflag:s15] =	ssyncadd.s32 $0xFFFFF800  }
0x3a: {  	_ =	swait.ge [sflag:s15], $0x800  }
0x3b: {  	[sflag:s15] =	ssyncset.done $0x0  }
0x3c: {  	[sflag:s15] =	ssyncadd.s32 $0xFFFFF800  }
0x3d: {  	_ =	swait.ge [sflag:s15], $0x800  }
0x3e: {  	[sflag:s15] =	ssyncset.done $0x0  }
0x3f: {  	[sflag:s15] =	ssyncadd.s32 $0xFFFFF800  }
0x40: {  	_ =	swait.ge [sflag:s15], $0x800  }
.Ltmp1:
0x41: {  	[sflag:s15] =	ssyncset.done $0x0;
	(pc) =	sbr.rel @p0 .LBB2_1-.Ltmp1, $4  }
0x42: {  	[sflag:s15] =	ssyncadd.s32 $0xFFFFF800  }
0x43: {  	[hbm4b:s16+s3] =	stream.linear.scatter [tilespmem:s7], [sflag:$0x2], $0x2800, $0x38;
	[tilespmem:$0x2A80] =	vst v63  }
0x44: {  	_ =	swait.ge [sflag:s4], $0x2800  }
0x45: {  	[sflag:s4] =	ssyncset.done $0x0  }
.LBB2_2:
0x46: {  	[sflag:s4] =	ssyncadd.s32 $0xFFFFD800  }
0x47: {  	_ =	sfence.sel $0x180000  }
0x48: {  	[bflag:$0x0] =	sbarrier.arrive $0xFFFF  }
0x49: {  	p0 =	sne.s32 s0, $0x0;
	_ =	strace $0x90000047  }
0x4a: {  	s0 =	sadd.s32 @!p0 $0x100000, s1;
	[bflag:$0x2] =	sbarrier.arrive $0xFFFF  }
0x4b: {  	[sflag:s0] =	ssyncadd.tile.s32 @!p0 $0x1;
	_ =	shalt  }
.Lfunc_end2:
_tile_overlayer_lowered:
.L_overlay_start_2:
0x4c: {  	(tag) =	ssettag $0x2  }
0x4d: {  	s0 =	rddreg [dreg:$0x0];
	s2 =	stileid.u32  }
0x4e: {  	s1 =	rddreg [dreg:$0x1];
	p0 =	sne.s32 s2, $0x0  }
0x4f: {  	s3 =	rddreg [dreg:$0x2];
	[bflag:$0x3] =	sbarrier.arrive $0xFFFF;
	s2 =	simm.s32 @!p0 $0x1C02  }
0x50: {  	[timem:s3], [sflag:s2] =	dma.local @!p0 [hbm:s0], s1  }
0x51: {  	s0 =	simm.s32 @!p0 $0x2  }
0x52: {  	_ =	swait.ge @!p0 [sflag:s0], s1  }
0x53: {  	s1 =	ssub.s32 @!p0 $0x0, s1;
	[sflag:s0] =	ssyncset.done @!p0 $0x0  }
0x54: {  	[sflag:s0] =	ssyncadd.s32 @!p0 s1  }
0x55: {  	[bflag:$0x3] =	sbarrier.arrive $0xFFFF  }
0x56: {  	_ =	shalt  }

// kernel: kernel.8.cloned.1.call-start
scs
__scs_entry_jumppad:
0x0: {  	(pc) =	sbr.rel $0x88, $3  }
0x1: {  	(tag) =	ssettag $0x0;
	lr =	simm.s32 $0x1  }
0x2: {  	[smem:$0x3FA0] =	sst lr;
	_ =	strace $0xD0000000  }
0x3: {  	_ = 	snop  }
0x4: {  	_ = 	snop  }
0x5: {  	_ = 	snop  }
0x6: {  	_ = 	snop  }
0x7: {  	_ = 	snop  }
__scs_overlays_trampoline_lowered:
0x8: {  	[smem:$0x3FAF] =	sst s0  }
0x9: {  	[smem:$0x3FB0] =	sst s1  }
0xa: {  	[smem:$0x3FB1] =	sst s2  }
0xb: {  	[smem:$0x3FB2] =	sst s3  }
0xc: {  	[smem:$0x3FB3] =	sst s4  }
0xd: {  	[smem:$0x3FB4] =	sst s5  }
0xe: {  	[smem:$0x3FB5] =	sst s6  }
0xf: {  	[smem:$0x3FB6] =	sst s7  }
0x10: {  	[smem:$0x3FB7] =	sst s8  }
0x11: {  	[smem:$0x3FB8] =	sst s9;
	s0 =	simm.s32 @!p0 $0x0  }
0x12: {  	s1 =	sld [smem:$0x3F9E];
	s0 =	simm.s32 @p0 $0x1  }
0x13: {  	[smem:$0x3FB9] =	sst s0;
	s0 =	simm.s32 @!p1 $0x0  }
0x14: {  	s2 =	sld [smem:$0x3F9D];
	s0 =	simm.s32 @p1 $0x1  }
0x15: {  	[smem:$0x3FBA] =	sst s0;
	s0 =	simm.s32 @!p2 $0x0  }
0x16: {  	s3 =	sld [smem:$0x3FDB];
	s0 =	simm.s32 @p2 $0x1  }
0x17: {  	s4 =	simm.s32 $0x1BF5;
	[smem:$0x3FBC] =	sst s0  }
0x18: {  	s0 =	sld [smem:$0x3F9F];
	_ =	swait.ge [sflag:s4], $0x0  }
0x19: {  	s7 =	sld [smem:$0x3FA0]  }
0x1a: {  	s8 =	sadd.s32 $0xFFFFE003, lr  }
0x1b: {  	s9 =	sadd.s32 $0xFFFFFEF7, lr;
	s5 =	simm.s32 $0xFFFFFFFF;
	p2 =	slt.u32 s8, $0xFFFFF086  }
0x1c: {  	p1 =	slt.u32 s9, $0xF7A;
	s5 =	simm.s32 @!p2 $0x0  }
0x1d: {  	s5 =	simm.s32 @p1 $0x1;
	p0 =	seq.s32 s7, s2  }
0x1e: {  	s7 =	smul.u32 @!p0 $0xF7A, s2;
	p2 =	seq.s32 @!p0 s5, $0x0  }
0x1f: {  	s9 =	smul.u32 $0xF7A, s1;
	s8 =	simm.s32 @!p0 $0x1BF5;
	p2 =	por !p2, p0  }
0x20: {  	[sflag:s8] =	ssyncset.s32 @!p0 $0xFFFFF086;
	s6 =	sadd.s32 @!p0 s3, s7;
	s7 =	simm.s32 @!p0 $0x108  }
0x21: {  	s3 =	sadd.s32 s3, s9;
	s6 =	sadd.s32 @!p0 $0x88, s6;
	s7 =	simm.s32 @p2 $0x1082  }
0x22: {  	[simem:s7], [sflag:s8] =	dma.local @!p0 [hbm:s6], $0xF7A  }
0x23: {  	s9 =	sor.u32 $0xD0000000, s2;
	s6 =	simm.s32 $0x108;
	_ =	swait.ge @!p0 [sflag:s8], $0x0  }
0x24: {  	s3 =	sadd.s32 $0x88, s3;
	s6 =	simm.s32 @!p1 $0x1082;
	[sflag:s4] =	ssyncset.s32 $0xFFFFF086  }
0x25: {  	[simem:s6], [sflag:s4] =	dma.local [hbm:s3], $0xF7A  }
0x26: {  	[smem:$0x3FA0] =	sst s1;
	(tag) =	ssettag s2;
	_ =	strace s9  }
0x27: {  	s1 =	sld [smem:$0x3FB0]  }
0x28: {  	s2 =	sld [smem:$0x3FB1]  }
0x29: {  	s4 =	sld [smem:$0x3FB3]  }
0x2a: {  	p0 =	seq.s32 s5, $0x0;
	s5 =	sld [smem:$0x3FB4]  }
0x2b: {  	s6 =	sld [smem:$0x3FB5]  }
0x2c: {  	s7 =	sld [smem:$0x3FB6]  }
0x2d: {  	s3 =	simm.s32 $0x108;
	s8 =	sld [smem:$0x3FB7]  }
0x2e: {  	s3 =	simm.s32 @!p0 $0x1082;
	s9 =	sld [smem:$0x3FB8]  }
0x2f: {  	lr =	sadd.s32 s0, s3;
	s0 =	sld [smem:$0x3FAF]  }
0x30: {  	s3 =	sld [smem:$0x3FB2]  }
0x31: {  	[smem:$0x3FBB] =	sst s10  }
0x32: {  	s10 =	sld [smem:$0x3FB9];
	_ =	sdelay $0x3  }
0x33: {  	p0 =	seq.s32 s10, $0x1;
	s10 =	sld [smem:$0x3FBB];
	_ =	sdelay $0x3  }
0x34: {  	[smem:$0x3FBB] =	sst s10  }
0x35: {  	s10 =	sld [smem:$0x3FBA];
	_ =	sdelay $0x3  }
0x36: {  	p1 =	seq.s32 s10, $0x1;
	s10 =	sld [smem:$0x3FBB];
	_ =	sdelay $0x3  }
0x37: {  	[smem:$0x3FBB] =	sst s10  }
0x38: {  	s10 =	sld [smem:$0x3FBC]  }
0x39: {  	_ = 	snop;
	(pc) =	sbr.ind lr, $3  }
0x3a: {  	_ = 	snop  }
0x3b: {  	_ = 	snop  }
0x3c: {  	p2 =	seq.s32 s10, $0x1;
	s10 =	sld [smem:$0x3FBB]  }
0x3d: {  	_ =	shalt  }
0x3e: {  	_ =	shalt  }
0x3f: {  	_ =	shalt  }
0x40: {  	_ =	shalt  }
0x41: {  	_ =	shalt  }
0x42: {  	_ =	shalt  }
0x43: {  	_ =	shalt  }
0x44: {  	_ =	shalt  }
0x45: {  	_ =	shalt  }
0x46: {  	_ =	shalt  }
0x47: {  	_ =	shalt  }
0x48: {  	_ =	shalt  }
0x49: {  	_ =	shalt  }
0x4a: {  	_ =	shalt  }
0x4b: {  	_ =	shalt  }
0x4c: {  	_ =	shalt  }
0x4d: {  	_ =	shalt  }
0x4e: {  	_ =	shalt  }
0x4f: {  	_ =	shalt  }
0x50: {  	_ =	shalt  }
0x51: {  	_ =	shalt  }
0x52: {  	_ =	shalt  }
0x53: {  	_ =	shalt  }
0x54: {  	_ =	shalt  }
0x55: {  	_ =	shalt  }
0x56: {  	_ =	shalt  }
0x57: {  	_ =	shalt  }
0x58: {  	_ =	shalt  }
0x59: {  	_ =	shalt  }
0x5a: {  	_ =	shalt  }
0x5b: {  	_ =	shalt  }
0x5c: {  	_ =	shalt  }
0x5d: {  	_ =	shalt  }
0x5e: {  	_ =	shalt  }
0x5f: {  	_ =	shalt  }
0x60: {  	_ =	shalt  }
0x61: {  	_ =	shalt  }
0x62: {  	_ =	shalt  }
0x63: {  	_ =	shalt  }
0x64: {  	_ =	shalt  }
0x65: {  	_ =	shalt  }
0x66: {  	_ =	shalt  }
0x67: {  	_ =	shalt  }
0x68: {  	_ =	shalt  }
0x69: {  	_ =	shalt  }
0x6a: {  	_ =	shalt  }
0x6b: {  	_ =	shalt  }
0x6c: {  	_ =	shalt  }
0x6d: {  	_ =	shalt  }
0x6e: {  	_ =	shalt  }
0x6f: {  	_ =	shalt  }
0x70: {  	_ =	shalt  }
0x71: {  	_ =	shalt  }
0x72: {  	_ =	shalt  }
0x73: {  	_ =	shalt  }
0x74: {  	_ =	shalt  }
0x75: {  	_ =	shalt  }
0x76: {  	_ =	shalt  }
0x77: {  	_ =	shalt  }
0x78: {  	_ =	shalt  }
0x79: {  	_ =	shalt  }
0x7a: {  	_ =	shalt  }
0x7b: {  	_ =	shalt  }
0x7c: {  	_ =	shalt  }
0x7d: {  	_ =	shalt  }
0x7e: {  	_ =	shalt  }
0x7f: {  	_ =	shalt  }
0x80: {  	_ =	shalt  }
0x81: {  	_ =	shalt  }
0x82: {  	_ =	shalt  }
0x83: {  	_ =	shalt  }
0x84: {  	_ =	shalt  }
0x85: {  	_ =	shalt  }
0x86: {  	_ =	shalt  }
0x87: {  	_ =	shalt  }
.Lfunc_end0:
.L_simem_size_0:
called_computation.1_lowered:
.L_overlay_start_0:
0x88: {  	s2 =	sld [smem:$0x3FD9]  }
0x89: {  	s3 =	sld [smem:$0x3FFE];
	_ =	sdelay $0x1  }
0x8a: {  	s1 =	srdreg.scid  }
0x8b: {  	s0 =	sand.u32 $0x1, s1  }
0x8c: {  	s17 =	sshll.u32 s0, $0xA;
	s2 =	sadd.s32 s3, s2  }
0x8d: {  	s2 =	sadd.s32 s2, s17  }
0x8e: {  	[smem:$0x3FC7] =	sst s2  }
0x8f: {  	_ = 	snop  }
0x90: {  	s2 =	sld [smem:$0x3FD0];
	(tm) =	ssettm $0x1  }
0x91: {  	s18 =	sld [smem:$0x3FFB];
	_ =	sdelay $0x3  }
0x92: {  	_ =	strace s18  }
0x93: {  	s3 =	sld [smem:$0x3FFC];
	_ =	sdelay $0x3  }
0x94: {  	_ =	strace s3  }
0x95: {  	s3 =	sld [smem:$0x3FFD];
	_ =	sdelay $0x3  }
0x96: {  	_ =	strace s3  }
0x97: {  	_ =	strace $0x8FFFFFFF  }
0x98: {  	s19 =	sld [smem:$0x3FDB];
	_ =	sdelay $0x1  }
0x99: {  	s4 =	simm.s32 $_scs_section_size  }
0x9a: {  	s5 =	simm.s32 $_size__tile_overlayer_lowered;
	s6 =	simm.s32 $_tile_overlayer_lowered  }
0x9b: {  	s22 =	simm.s32 $0x1BFF;
	s21 =	sshll.u32 s6, $0x1;
	s3 =	sadd.s32 s4, s19  }
0x9c: {  	s7 =	simm.s32 $0x0;
	s20 =	sshll.u32 s5, $0x1;
	s5 =	sadd.s32 s21, s3  }
0x9d: {  	[timem:s7], [sflag:s22] =	dma.local [hbm:s5], s20  }
0x9e: {  	_ =	swait.ge [sflag:s22], s20  }
0x9f: {  	s4 =	ssub.s32 $0x0, s20;
	[sflag:s22] =	ssyncset.done $0x0  }
0xa0: {  	[sflag:s22] =	ssyncadd.s32 s4;
	_ =	sdelay $0x1  }
0xa1: {  	s23 =	simm.s32 $0x1B8B  }
0xa2: {  	_ =	swait.ge [sflag:s23], $0x1  }
0xa3: {  	[sflag:s23] =	ssyncset.done $0x0  }
0xa4: {  	s25 =	simm.s32 $0x1B8E;
	s24 =	sld [smem:$0x3FFE];
	[sflag:s23] =	ssyncadd.s32 $0xFFFFFFFF  }
0xa5: {  	s26 =	simm.s32 $execute0_lowered;
	[smem:$0x3FD2] =	sst s25  }
0xa6: {  	s5 =	sshll.u32 s26, $0x1;
	_ =	strace $0x80000049;
	[dreg:$0x1] =	wrdreg $0xFFFFFFFF  }
0xa7: {  	s28 =	simm.s32 $_size_execute0_lowered;
	s3 =	sadd.s32 s3, s5;
	[dreg:$0x0] =	wrdreg $0x0  }
0xa8: {  	s5 =	sshll.u32 s28, $0x1;
	[dreg:$0x2] =	wrdreg s3  }
0xa9: {  	[dreg:$0x3] =	wrdreg s5  }
0xaa: {  	[dreg:$0x4] =	wrdreg $0xC0  }
0xab: {  	_ =	task [dreg:s7], $0x5FFFF  }
0xac: {  	[dreg:$0x1] =	wrdreg $0xFFFFFFFF  }
0xad: {  	[dreg:$0x0] =	wrdreg $0x60  }
0xae: {  	[dreg:$0x2] =	wrdreg s24  }
0xaf: {  	[dreg:$0x3] =	wrdreg s2  }
0xb0: {  	[dreg:$0x4] =	wrdreg $0x9  }
0xb1: {  	_ =	task.clear_ibuf [dreg:s7], $0x5FFFF;
	_ =	strace $0x90000049  }
0xb2: {  	s29 =	simm.s32 $0x9;
	_ =	strace $0x8000004B  }
0xb3: {  	_ =	swait.ge [sflag:s29], $0x1  }
0xb4: {  	[sflag:s29] =	ssyncadd.s32 $0xFFFFFFFF  }
0xb5: {  	_ =	strace $0x9000004B  }
0xb6: {  	_ =	sfence  }
0xb7: {  	s30 =	sld [smem:$0x0];
	_ =	sdelay $0x2  }
0xb8: {  	s31 =	sshll.u32 s1, $0xD;
	s1 =	sshrl.u32 s1, $0x2  }
0xb9: {  	s3 =	sand.u32 $0x4000, s31;
	s1 =	sadd.s32 s1, s30  }
0xba: {  	s0 =	sor.u32 s3, s0;
	s1 =	sshll.u32 s1, $0x11  }
0xbb: {  	s0 =	sor.u32 s1, s0  }
0xbc: {  	s0 =	sadd.s32 $0x8F2B, s0  }
0xbd: {  	[sflag:s0] =	ssyncadd.remote.s32 $0x1  }
0xbe: {  	_ =	sfence.sel $0xFFFF  }
0xbf: {  	[dreg:$0x0] =	wrdreg $0xFFFFFFFF;
	(pc) =	sbr.abs _section_cstart, $3  }
0xc0: {  	[dreg:$0x1] =	wrdreg $0xFFFFFFFF  }
0xc1: {  	_ =	task.clear_ibuf [dreg:s7], $0x2FFFF;
	_ =	strace $0x9FFFFFFF  }
0xc2: {  	(tm) =	ssettm $0x7FFFFFFF  }
0xc3: {  	_ =	shalt  }
tec
execute0_lowered:
.L_overlay_start_1:
0x0: {  	(tag) =	ssettag $0x1  }
0x1: {  	s1 =	srdreg.scid;
	s0 =	stileid.u32  }
0x2: {  	s7 =	rddreg [dreg:$0x0];
	s17 =	sand.u32 $0x1, s1;
	s31 =	sshll.u32 s0, $0x1  }
0x3: {  	s3 =	rddreg [dreg:$0x1];
	s5 =	sor.u32 s17, s31  }
0x4: {  	s2 =	simm.s32 $0x0;
	s1 =	rddreg [dreg:$0x2];
	s4 =	smul.u32 $0x50, s5  }
0x5: {  	[smem:$0x7FF] =	sst s2  }
0x6: {  	_ =	strace $0x8000004A;
	s3 =	sadd.s32 s3, s4;
	s4 =	simm.s32 $0x2  }
0x7: {  	[tilespmem:s2], [sflag:$0x2] =	stream.linear.gather [hbm4b:s3+s2], $0x280, $0x38;
	[tilespmem:$0x2A80] =	vst v63  }
0x8: {  	s5 =	smul.u32 $0x500, s5;
	_ =	swait.ge [sflag:s4], $0x280  }
0x9: {  	[sflag:s4] =	ssyncset.done $0x0  }
0xa: {  	s6 =	simm.s32 $0x280;
	s5 =	sadd.s32 s7, s5;
	[sflag:s4] =	ssyncadd.s32 $0xFFFFFD80  }
0xb: {  	[tilespmem:s6], [sflag:$0x2] =	stream.linear.gather [hbm4b:s5+s2], $0x2800, $0x38;
	[tilespmem:$0x2A80] =	vst v63  }
0xc: {  	_ =	swait.ge [sflag:s4], $0x2800  }
0xd: {  	[sflag:s4] =	ssyncset.done $0x0  }
0xe: {  	s8 =	simm.s32 $0x80;
	s7 =	sadd.s32 $0xA000, s7;
	[sflag:s4] =	ssyncadd.s32 $0xFFFFD800  }
0xf: {  	[hbm4b:s7+s8] =	stream.indirect.scatter [tilespmem:s6], [sflag:$0x1], $0x10, s2, s8, $0xb8;
	[tilespmem:$0x2A80] =	vst v63  }
0x10: {  	s9 =	simm.s32 $0xA80  }
0x11: {  	[hbm4b:s7+s8] =	stream.indirect.scatter [tilespmem:s9], [sflag:$0x1], $0x10, s8, s8, $0xb8;
	[tilespmem:$0x2A80] =	vst v63  }
0x12: {  	s10 =	simm.s32 $0x100;
	s11 =	simm.s32 $0x1280  }
0x13: {  	[hbm4b:s7+s8] =	stream.indirect.scatter [tilespmem:s11], [sflag:$0x1], $0x10, s10, s8, $0xb8;
	[tilespmem:$0x2A80] =	vst v63  }
0x14: {  	s12 =	simm.s32 $0x180;
	s13 =	simm.s32 $0x1A80  }
0x15: {  	[hbm4b:s7+s8] =	stream.indirect.scatter [tilespmem:s13], [sflag:$0x1], $0x10, s12, s8, $0xb8;
	[tilespmem:$0x2A80] =	vst v63  }
0x16: {  	s14 =	simm.s32 $0x200;
	s16 =	simm.s32 $0x2280;
	s15 =	simm.s32 $0x1  }
0x17: {  	[hbm4b:s7+s8] =	stream.indirect.scatter [tilespmem:s16], [sflag:$0x1], $0x10, s14, s8, $0xb8;
	[tilespmem:$0x2A80] =	vst v63  }
0x18: {  	_ =	swait.ge [sflag:s15], $0x800  }
0x19: {  	[sflag:s15] =	ssyncset.done $0x0  }
0x1a: {  	[sflag:s15] =	ssyncadd.s32 $0xFFFFF800  }
0x1b: {  	_ =	swait.ge [sflag:s15], $0x800  }
0x1c: {  	s17 =	ssub.s32 $0x2, s17;
	[sflag:s15] =	ssyncset.done $0x0  }
0x1d: {  	s18 =	sshrl.u32 s17, $0x1;
	[sflag:s15] =	ssyncadd.s32 $0xFFFFF800  }
0x1e: {  	s17 =	ssub.s32 s17, s18;
	_ =	swait.ge [sflag:s15], $0x800  }
0x1f: {  	s17 =	smax.u32 s17, $0x1;
	[sflag:s15] =	ssyncset.done $0x0  }
0x20: {  	p0 =	sne.s32 s17, $0x1;
	[sflag:s15] =	ssyncadd.s32 $0xFFFFF800  }
.Ltmp0:
0x21: {  	_ =	swait.ge [sflag:s15], $0x800;
	(pc) =	sbr.rel @!p0 .LBB2_2-.Ltmp0, $4  }
0x22: {  	[sflag:s15] =	ssyncset.done $0x0  }
0x23: {  	[sflag:s15] =	ssyncadd.s32 $0xFFFFF800  }
0x24: {  	_ =	swait.ge [sflag:s15], $0x800  }
0x25: {  	s17 =	sadd.s32 $0xFFFFFFFF, s17;
	[sflag:s15] =	ssyncset.done $0x0  }
.LBB2_1:
0x26: {  	p0 =	sne.s32 s17, $0x1;
	s17 =	sadd.s32 $0xFFFFFFFF, s17;
	[sflag:s15] =	ssyncadd.s32 $0xFFFFF800  }
0x27: {  	[tilespmem:s2], [sflag:$0x2] =	stream.linear.gather [hbm4b:s3+s2], $0x280, $0x38;
	[tilespmem:$0x2A80] =	vst v63  }
0x28: {  	_ =	swait.ge [sflag:s4], $0x280  }
0x29: {  	[sflag:s4] =	ssyncset.done $0x0  }
0x2a: {  	[sflag:s4] =	ssyncadd.s32 $0xFFFFFD80  }
0x2b: {  	[tilespmem:s6], [sflag:$0x2] =	stream.linear.gather [hbm4b:s5+s2], $0x2800, $0x38;
	[tilespmem:$0x2A80] =	vst v63  }
0x2c: {  	_ =	swait.ge [sflag:s4], $0x2800  }
0x2d: {  	[sflag:s4] =	ssyncset.done $0x0  }
0x2e: {  	[sflag:s4] =	ssyncadd.s32 $0xFFFFD800  }
0x2f: {  	[hbm4b:s7+s8] =	stream.indirect.scatter [tilespmem:s6], [sflag:$0x1], $0x10, s2, s8, $0xb8;
	[tilespmem:$0x2A80] =	vst v63  }
0x30: {  	_ = 	snop  }
0x31: {  	[hbm4b:s7+s8] =	stream.indirect.scatter [tilespmem:s9], [sflag:$0x1], $0x10, s8, s8, $0xb8;
	[tilespmem:$0x2A80] =	vst v63  }
0x32: {  	_ = 	snop  }
0x33: {  	[hbm4b:s7+s8] =	stream.indirect.scatter [tilespmem:s11], [sflag:$0x1], $0x10, s10, s8, $0xb8;
	[tilespmem:$0x2A80] =	vst v63  }
0x34: {  	_ = 	snop  }
0x35: {  	[hbm4b:s7+s8] =	stream.indirect.scatter [tilespmem:s13], [sflag:$0x1], $0x10, s12, s8, $0xb8;
	[tilespmem:$0x2A80] =	vst v63  }
0x36: {  	_ = 	snop  }
0x37: {  	[hbm4b:s7+s8] =	stream.indirect.scatter [tilespmem:s16], [sflag:$0x1], $0x10, s14, s8, $0xb8;
	[tilespmem:$0x2A80] =	vst v63  }
0x38: {  	_ =	swait.ge [sflag:s15], $0x800  }
0x39: {  	[sflag:s15] =	ssyncset.done $0x0  }
0x3a: {  	[sflag:s15] =	ssyncadd.s32 $0xFFFFF800  }
0x3b: {  	_ =	swait.ge [sflag:s15], $0x800  }
0x3c: {  	[sflag:s15] =	ssyncset.done $0x0  }
0x3d: {  	[sflag:s15] =	ssyncadd.s32 $0xFFFFF800  }
0x3e: {  	_ =	swait.ge [sflag:s15], $0x800  }
0x3f: {  	[sflag:s15] =	ssyncset.done $0x0  }
0x40: {  	[sflag:s15] =	ssyncadd.s32 $0xFFFFF800  }
.Ltmp1:
0x41: {  	_ =	swait.ge [sflag:s15], $0x800;
	(pc) =	sbr.rel @p0 .LBB2_1-.Ltmp1, $4  }
0x42: {  	[sflag:s15] =	ssyncset.done $0x0  }
0x43: {  	[sflag:s15] =	ssyncadd.s32 $0xFFFFF800  }
0x44: {  	_ =	swait.ge [sflag:s15], $0x800  }
0x45: {  	[sflag:s15] =	ssyncset.done $0x0  }
.LBB2_2:
0x46: {  	[sflag:s15] =	ssyncadd.s32 $0xFFFFF800  }
0x47: {  	_ =	sfence.sel $0x180000  }
0x48: {  	[bflag:$0x0] =	sbarrier.arrive $0xFFFF  }
0x49: {  	p0 =	sne.s32 s0, $0x0;
	_ =	strace $0x9000004A  }
0x4a: {  	s0 =	sadd.s32 @!p0 $0x100000, s1;
	[bflag:$0x2] =	sbarrier.arrive $0xFFFF  }
0x4b: {  	[sflag:s0] =	ssyncadd.tile.s32 @!p0 $0x1;
	_ =	shalt  }
.Lfunc_end2:
_tile_overlayer_lowered:
.L_overlay_start_2:
0x4c: {  	(tag) =	ssettag $0x2  }
0x4d: {  	s0 =	rddreg [dreg:$0x0];
	s2 =	stileid.u32  }
0x4e: {  	s1 =	rddreg [dreg:$0x1];
	p0 =	sne.s32 s2, $0x0  }
0x4f: {  	s3 =	rddreg [dreg:$0x2];
	[bflag:$0x3] =	sbarrier.arrive $0xFFFF;
	s2 =	simm.s32 @!p0 $0x1C02  }
0x50: {  	[timem:s3], [sflag:s2] =	dma.local @!p0 [hbm:s0], s1  }
0x51: {  	s0 =	simm.s32 @!p0 $0x2  }
0x52: {  	_ =	swait.ge @!p0 [sflag:s0], s1  }
0x53: {  	s1 =	ssub.s32 @!p0 $0x0, s1;
	[sflag:s0] =	ssyncset.done @!p0 $0x0  }
0x54: {  	[sflag:s0] =	ssyncadd.s32 @!p0 s1  }
0x55: {  	[bflag:$0x3] =	sbarrier.arrive $0xFFFF  }
0x56: {  	_ =	shalt  }

</sc_bundles>
